<compile_context>
chip_gen: v7x
topology: tpu7x:2x2x1
jax: 0.10.2.dev20260603
libtpu: 0.0.44.dev20260713+nightly
codegen_flags: <defaults>
</compile_context>

<pallas_src>
import functools

import jax
import jax.numpy as jnp
from jax import lax
from jax.experimental import pallas as pl
from jax.experimental.pallas import tpu as pltpu
from jax.experimental.pallas import tpu_sc as plsc

N_NODES = 10000
N_EDGES = 320000
D_IN = 128
D_HID = 64
D_OUT = 128

NC = 2
NS = 16
NW = NC * NS
CHUNK = 128
EPT = 10240
E_PAD = EPT * NW
NCHUNK = EPT // CHUNK
NPAIR = NCHUNK // 2
SLAB = 640
ZCH = 80
N_PAD = 10240


def _sc_aggregate(x, src3, dst3):
  mesh = plsc.VectorSubcoreMesh(core_axis_name="c", subcore_axis_name="s")

  @functools.partial(
      pl.kernel,
      mesh=mesh,
      out_type=jax.ShapeDtypeStruct((NC, N_NODES, D_IN), jnp.float32),
      scratch_types=[
          pltpu.VMEM((NCHUNK, CHUNK), jnp.int32),
          pltpu.VMEM((1, CHUNK), jnp.int32),
          pltpu.VMEM((1, CHUNK), jnp.int32),
          pltpu.VMEM((CHUNK, D_IN), jnp.float32),
          pltpu.VMEM((CHUNK, D_IN), jnp.float32),
          pltpu.VMEM_SHARED((N_PAD, D_IN), jnp.float32),
          pltpu.SemaphoreType.DMA,
          pltpu.SemaphoreType.DMA,
          pltpu.SemaphoreType.DMA,
          pltpu.SemaphoreType.DMA,
          pltpu.SemaphoreType.DMA,
      ],
  )
  def agg(x_hbm, src_hbm, dst_hbm, out_hbm, src_v, sd0, sd1, rows0, rows1,
          acc_sh, ssd0, ssd1, ssa0, ssa1, ssz):
    sd = (sd0, sd1)
    rows = (rows0, rows1)
    ssd = (ssd0, ssd1)
    ssa = (ssa0, ssa1)
    c = lax.axis_index("c")
    s = lax.axis_index("s")
    wid = c * NS + s

    pltpu.async_copy(src_hbm.at[wid], src_v, ssz)

    @pl.loop(0, ZCH)
    def _(r):
      for j in range(D_IN // 16):
        rows0[r, pl.ds(j * 16, 16)] = jnp.zeros((16,), jnp.float32)

    nz = jnp.where(s < NS - 1, SLAB // ZCH, (N_NODES - (NS - 1) * SLAB) // ZCH)

    @pl.loop(0, nz)
    def _(j):
      pltpu.async_copy(rows0.at[pl.ds(0, ZCH)],
                       acc_sh.at[pl.ds(s * SLAB + j * ZCH, ZCH)], ssd[0])

    @pl.loop(0, nz)
    def _(j):
      pltpu.make_async_copy(rows0.at[pl.ds(0, ZCH)],
                            acc_sh.at[pl.ds(s * SLAB, ZCH)], ssd[0]).wait()

    pltpu.make_async_copy(src_hbm.at[wid], src_v, ssz).wait()

    for b in range(2):
      pltpu.async_copy(dst_hbm.at[wid, b], sd[b].at[0], ssd[b])
      pltpu.async_copy(x_hbm.at[src_v.at[b]], rows[b], ssa[b])

    plsc.subcore_barrier()

    @pl.loop(0, NPAIR)
    def _(k):
      for b in range(2):
        ci = 2 * k + b
        pltpu.make_async_copy(x_hbm.at[src_v.at[ci]], rows[b], ssa[b]).wait()
        pltpu.make_async_copy(dst_hbm.at[wid, ci], sd[b].at[0], ssd[b]).wait()
        pltpu.sync_copy(rows[b], acc_sh.at[sd[b].at[0]], add=True)

        @pl.when(ci + 2 < NCHUNK)
        def _():
          pltpu.async_copy(dst_hbm.at[wid, ci + 2], sd[b].at[0], ssd[b])
          pltpu.async_copy(x_hbm.at[src_v.at[ci + 2]], rows[b], ssa[b])

    plsc.subcore_barrier()

    row0 = pl.multiple_of(s * SLAB, 8)

    @pl.when(s < NS - 1)
    def _():
      pltpu.sync_copy(acc_sh.at[pl.ds(row0, SLAB)],
                      out_hbm.at[c, pl.ds(row0, SLAB)])

    last = N_NODES - (NS - 1) * SLAB

    @pl.when(s == NS - 1)
    def _():
      pltpu.sync_copy(acc_sh.at[pl.ds((NS - 1) * SLAB, last)],
                      out_hbm.at[c, pl.ds((NS - 1) * SLAB, last)])

  return agg(x, src3, dst3)


BLK = 2000


def _mlp(partials, W1, b1, W2, b2):
  def body(p_ref, w1_ref, b1_ref, w2_ref, b2_ref, o_ref):
    ax = p_ref[0] + p_ref[1]
    h = jnp.dot(ax.astype(jnp.bfloat16), w1_ref[...].astype(jnp.bfloat16),
                preferred_element_type=jnp.float32)
    h = jnp.maximum(h + b1_ref[...], 0.0)
    o_ref[...] = (jnp.dot(h.astype(jnp.bfloat16),
                          w2_ref[...].astype(jnp.bfloat16),
                          preferred_element_type=jnp.float32) + b2_ref[...])

  return pl.pallas_call(
      body,
      grid=(N_NODES // BLK,),
      in_specs=[
          pl.BlockSpec((NC, BLK, D_IN), lambda i: (0, i, 0)),
          pl.BlockSpec((D_IN, D_HID), lambda i: (0, 0)),
          pl.BlockSpec((1, D_HID), lambda i: (0, 0)),
          pl.BlockSpec((D_HID, D_OUT), lambda i: (0, 0)),
          pl.BlockSpec((1, D_OUT), lambda i: (0, 0)),
      ],
      out_specs=pl.BlockSpec((BLK, D_OUT), lambda i: (i, 0)),
      out_shape=jax.ShapeDtypeStruct((N_NODES, D_OUT), jnp.float32),
  )(partials, W1, b1.reshape(1, D_HID), W2, b2.reshape(1, D_OUT))


def kernel(x, edge_index, W1, b1, W2, b2):
  ei = edge_index.astype(jnp.int32)
  npad = E_PAD - N_EDGES
  pad_src = jnp.arange(npad, dtype=jnp.int32) % N_NODES
  src = jnp.concatenate([ei[0], pad_src])
  pad_dst = N_NODES + (jnp.arange(npad, dtype=jnp.int32) % (N_PAD - N_NODES))
  dst = jnp.concatenate([ei[1], pad_dst])
  src3 = src.reshape(NW, NCHUNK, CHUNK)
  dst3 = dst.reshape(NW, NCHUNK, CHUNK)
  partials = _sc_aggregate(x, src3, dst3)
  return _mlp(partials, W1, b1, W2, b2)

# --- scband reference (transcript-rebuilt; emitter-appended) ---
"""Pipeline reference for scband-ginconvolution-6674379178025 (READ-ONLY COPY).

The authoritative reference and input builder live on the scoring server;
editing this copy changes nothing except your own understanding.
"""

import jax, jax.numpy as jnp
import numpy as np

N_NODES = 10000
N_EDGES = 320000
D_IN = 128
D_HID = 64
D_OUT = 128


def setup_inputs(seed: int = 0) -> dict:
    key = jax.random.key(seed)
    k1, k2, k3, k4, k5, k6 = jax.random.split(key, 6)
    x = jax.random.normal(k1, (N_NODES, D_IN), dtype=jnp.float32)
    edge_index = jax.random.randint(k2, (2, N_EDGES), 0, N_NODES, dtype=jnp.int32).astype(jnp.int64)
    # MLP_for_GIN parameters: num_mlp_layers=2 -> Linear(D_IN, D_HID) -> ReLU -> Linear(D_HID, D_OUT)
    W1 = jax.random.normal(k3, (D_IN, D_HID), dtype=jnp.float32) * (1.0 / np.sqrt(D_IN))
    b1 = jnp.zeros((D_HID,), dtype=jnp.float32)
    W2 = jax.random.normal(k4, (D_HID, D_OUT), dtype=jnp.float32) * (1.0 / np.sqrt(D_HID))
    b2 = jnp.zeros((D_OUT,), dtype=jnp.float32)
    return {"x": x, "edge_index": edge_index, "W1": W1, "b1": b1, "W2": W2, "b2": b2}


def reference(x, edge_index, W1, b1, W2, b2):
    # support[0].mm(x): sparse adjacency (COO, unit values) times dense x.
    # Implemented as gather on src nodes + scatter-add (segment_sum) onto dst nodes.
    src = edge_index[0]
    dst = edge_index[1]
    gathered = jnp.take(x, src, axis=0)          # gather: [E, D_IN]
    AX = jax.ops.segment_sum(gathered, dst, num_segments=x.shape[0])  # scatter-add: [N, D_IN]
    # train_eps=False and featureless=False -> out = nn(AX)
    h = jax.nn.relu(AX @ W1 + b1)
    # dropout inactive at inference (eval mode)
    out = h @ W2 + b2
    return out

if __name__ == "__main__":
    import jax
    _d = setup_inputs()
    print(jax.jit(kernel)(*tuple(_d.values())))

</pallas_src>

<mosaic_0001>
#map = affine_map<(d0, d1) -> (0, 0)>
#map1 = affine_map<(d0, d1) -> (0, 0, 0)>
module attributes {stable_mosaic.version = 14 : i64} {
  func.func @agg(%arg0: i32, %arg1: i32, %arg2: memref<10000x128xf32, #tpu.memory_space<hbm>>, %arg3: memref<32x80x128xi32, #tpu.memory_space<hbm>>, %arg4: memref<32x80x128xi32, #tpu.memory_space<hbm>>, %arg5: memref<2x10000x128xf32, #tpu.memory_space<hbm>>, %arg6: memref<80x128xi32, #tpu.memory_space<vmem>>, %arg7: memref<1x128xi32, #tpu.memory_space<vmem>>, %arg8: memref<1x128xi32, #tpu.memory_space<vmem>>, %arg9: memref<128x128xf32, #tpu.memory_space<vmem>>, %arg10: memref<128x128xf32, #tpu.memory_space<vmem>>, %arg11: memref<10240x128xf32, #tpu.memory_space<vmem_shared>>, %arg12: memref<!tpu.dma_semaphore, #tpu.memory_space<semaphore_mem>>, %arg13: memref<!tpu.dma_semaphore, #tpu.memory_space<semaphore_mem>>, %arg14: memref<!tpu.dma_semaphore, #tpu.memory_space<semaphore_mem>>, %arg15: memref<!tpu.dma_semaphore, #tpu.memory_space<semaphore_mem>>, %arg16: memref<!tpu.dma_semaphore, #tpu.memory_space<semaphore_mem>>) attributes {dimension_semantics = [#tpu.dimension_semantics<core_parallel>, #tpu.dimension_semantics<subcore_parallel>], iteration_bounds = array<i64: 2, 16>, scalar_prefetch = 0 : i64, scratch_operands = 11 : i64, tpu.core_type = #tpu.core_type<sc_vector_subcore>, window_params = [{transform_indices = #map}, {transform_indices = #map1}, {transform_indices = #map1}, {transform_indices = #map1}]} {
    %mul3A = arith.constant 16 : i32
    %mul3A_0 = arith.muli %arg0, %mul3A : i32
    %add3A = arith.addi %mul3A_0, %arg1 : i32
    %dma_start3A = arith.constant 0 : i32
    %dma_start3A_1 = arith.constant 0 : i32
    %dma_start3A_2 = tpu.memref_slice %arg3[%add3A, %dma_start3A, %dma_start3A_1] : memref<32x80x128xi32, #tpu.memory_space<hbm>> -> memref<1x80x128xi32, #tpu.memory_space<hbm>>
    %dma_start3A_3 = tpu.memref_squeeze %dma_start3A_2 : memref<1x80x128xi32, #tpu.memory_space<hbm>> -> memref<80x128xi32, #tpu.memory_space<hbm>>
    %dma_start3A_4 = arith.constant 0 : i32
    %dma_start3A_5 = arith.constant 0 : i32
    %dma_start3A_6 = tpu.memref_slice %arg3[%add3A, %dma_start3A_4, %dma_start3A_5] : memref<32x80x128xi32, #tpu.memory_space<hbm>> -> memref<1x80x128xi32, #tpu.memory_space<hbm>>
    %dma_start3A_7 = tpu.memref_squeeze %dma_start3A_6 : memref<1x80x128xi32, #tpu.memory_space<hbm>> -> memref<80x128xi32, #tpu.memory_space<hbm>>
    tpu.enqueue_dma source(%dma_start3A_7 : memref<80x128xi32, #tpu.memory_space<hbm>>) target(%arg6 : memref<80x128xi32, #tpu.memory_space<vmem>>) target_semaphore(%arg16 : memref<!tpu.dma_semaphore, #tpu.memory_space<semaphore_mem>>)
    %scan3A = arith.constant 0 : i32
    %scan3A_8 = arith.constant 80 : i32
    %scan3A_9 = arith.addi %scan3A, %scan3A_8 : i32
    %scan3A_10 = arith.constant 1 : i32
    scf.for %scan3A_113 = %scan3A to %scan3A_9 step %scan3A_10  : i32 {
      %mul3A_114 = arith.constant 1 : i32
      %mul3A_115 = arith.muli %scan3A_113, %mul3A_114 : i32
      %add3A_116 = arith.constant 0 : i32
      %add3A_117 = arith.addi %add3A_116, %mul3A_115 : i32
      %broadcast_in_dim3A = arith.constant 0.000000e+00 : f32
      %broadcast_in_dim3A_118 = vector.broadcast %broadcast_in_dim3A : f32 to vector<16xf32>
      %swap3A = arith.index_cast %add3A_117 : i32 to index
      %swap3A_119 = arith.constant 0 : index
      %swap3A_120 = tpu.vector_load %arg9[%swap3A, %swap3A_119] {strides = array<i32>} : memref<128x128xf32, #tpu.memory_space<vmem>>, vector<1x16xf32>,
      %swap3A_121 = vector.shape_cast %swap3A_120 : vector<1x16xf32> to vector<16xf32>
      %swap3A_122 = vector.shape_cast %broadcast_in_dim3A_118 : vector<16xf32> to vector<1x16xf32>
      tpu.vector_store %arg9[%swap3A, %swap3A_119], %swap3A_122 {strides = array<i32>} : memref<128x128xf32, #tpu.memory_space<vmem>>, vector<1x16xf32>,
      %broadcast_in_dim3A_123 = arith.constant 0.000000e+00 : f32
      %broadcast_in_dim3A_124 = vector.broadcast %broadcast_in_dim3A_123 : f32 to vector<16xf32>
      %swap3A_125 = arith.index_cast %add3A_117 : i32 to index
      %swap3A_126 = arith.constant 16 : index
      %swap3A_127 = tpu.vector_load %arg9[%swap3A_125, %swap3A_126] {strides = array<i32>} : memref<128x128xf32, #tpu.memory_space<vmem>>, vector<1x16xf32>,
      %swap3A_128 = vector.shape_cast %swap3A_127 : vector<1x16xf32> to vector<16xf32>
      %swap3A_129 = vector.shape_cast %broadcast_in_dim3A_124 : vector<16xf32> to vector<1x16xf32>
      tpu.vector_store %arg9[%swap3A_125, %swap3A_126], %swap3A_129 {strides = array<i32>} : memref<128x128xf32, #tpu.memory_space<vmem>>, vector<1x16xf32>,
      %broadcast_in_dim3A_130 = arith.constant 0.000000e+00 : f32
      %broadcast_in_dim3A_131 = vector.broadcast %broadcast_in_dim3A_130 : f32 to vector<16xf32>
      %swap3A_132 = arith.index_cast %add3A_117 : i32 to index
      %swap3A_133 = arith.constant 32 : index
      %swap3A_134 = tpu.vector_load %arg9[%swap3A_132, %swap3A_133] {strides = array<i32>} : memref<128x128xf32, #tpu.memory_space<vmem>>, vector<1x16xf32>,
      %swap3A_135 = vector.shape_cast %swap3A_134 : vector<1x16xf32> to vector<16xf32>
      %swap3A_136 = vector.shape_cast %broadcast_in_dim3A_131 : vector<16xf32> to vector<1x16xf32>
      tpu.vector_store %arg9[%swap3A_132, %swap3A_133], %swap3A_136 {strides = array<i32>} : memref<128x128xf32, #tpu.memory_space<vmem>>, vector<1x16xf32>,
      %broadcast_in_dim3A_137 = arith.constant 0.000000e+00 : f32
      %broadcast_in_dim3A_138 = vector.broadcast %broadcast_in_dim3A_137 : f32 to vector<16xf32>
      %swap3A_139 = arith.index_cast %add3A_117 : i32 to index
      %swap3A_140 = arith.constant 48 : index
      %swap3A_141 = tpu.vector_load %arg9[%swap3A_139, %swap3A_140] {strides = array<i32>} : memref<128x128xf32, #tpu.memory_space<vmem>>, vector<1x16xf32>,
      %swap3A_142 = vector.shape_cast %swap3A_141 : vector<1x16xf32> to vector<16xf32>
      %swap3A_143 = vector.shape_cast %broadcast_in_dim3A_138 : vector<16xf32> to vector<1x16xf32>
      tpu.vector_store %arg9[%swap3A_139, %swap3A_140], %swap3A_143 {strides = array<i32>} : memref<128x128xf32, #tpu.memory_space<vmem>>, vector<1x16xf32>,
      %broadcast_in_dim3A_144 = arith.constant 0.000000e+00 : f32
      %broadcast_in_dim3A_145 = vector.broadcast %broadcast_in_dim3A_144 : f32 to vector<16xf32>
      %swap3A_146 = arith.index_cast %add3A_117 : i32 to index
      %swap3A_147 = arith.constant 64 : index
      %swap3A_148 = tpu.vector_load %arg9[%swap3A_146, %swap3A_147] {strides = array<i32>} : memref<128x128xf32, #tpu.memory_space<vmem>>, vector<1x16xf32>,
      %swap3A_149 = vector.shape_cast %swap3A_148 : vector<1x16xf32> to vector<16xf32>
      %swap3A_150 = vector.shape_cast %broadcast_in_dim3A_145 : vector<16xf32> to vector<1x16xf32>
      tpu.vector_store %arg9[%swap3A_146, %swap3A_147], %swap3A_150 {strides = array<i32>} : memref<128x128xf32, #tpu.memory_space<vmem>>, vector<1x16xf32>,
      %broadcast_in_dim3A_151 = arith.constant 0.000000e+00 : f32
      %broadcast_in_dim3A_152 = vector.broadcast %broadcast_in_dim3A_151 : f32 to vector<16xf32>
      %swap3A_153 = arith.index_cast %add3A_117 : i32 to index
      %swap3A_154 = arith.constant 80 : index
      %swap3A_155 = tpu.vector_load %arg9[%swap3A_153, %swap3A_154] {strides = array<i32>} : memref<128x128xf32, #tpu.memory_space<vmem>>, vector<1x16xf32>,
      %swap3A_156 = vector.shape_cast %swap3A_155 : vector<1x16xf32> to vector<16xf32>
      %swap3A_157 = vector.shape_cast %broadcast_in_dim3A_152 : vector<16xf32> to vector<1x16xf32>
      tpu.vector_store %arg9[%swap3A_153, %swap3A_154], %swap3A_157 {strides = array<i32>} : memref<128x128xf32, #tpu.memory_space<vmem>>, vector<1x16xf32>,
      %broadcast_in_dim3A_158 = arith.constant 0.000000e+00 : f32
      %broadcast_in_dim3A_159 = vector.broadcast %broadcast_in_dim3A_158 : f32 to vector<16xf32>
      %swap3A_160 = arith.index_cast %add3A_117 : i32 to index
      %swap3A_161 = arith.constant 96 : index
      %swap3A_162 = tpu.vector_load %arg9[%swap3A_160, %swap3A_161] {strides = array<i32>} : memref<128x128xf32, #tpu.memory_space<vmem>>, vector<1x16xf32>,
      %swap3A_163 = vector.shape_cast %swap3A_162 : vector<1x16xf32> to vector<16xf32>
      %swap3A_164 = vector.shape_cast %broadcast_in_dim3A_159 : vector<16xf32> to vector<1x16xf32>
      tpu.vector_store %arg9[%swap3A_160, %swap3A_161], %swap3A_164 {strides = array<i32>} : memref<128x128xf32, #tpu.memory_space<vmem>>, vector<1x16xf32>,
      %broadcast_in_dim3A_165 = arith.constant 0.000000e+00 : f32
      %broadcast_in_dim3A_166 = vector.broadcast %broadcast_in_dim3A_165 : f32 to vector<16xf32>
      %swap3A_167 = arith.index_cast %add3A_117 : i32 to index
      %swap3A_168 = arith.constant 112 : index
      %swap3A_169 = tpu.vector_load %arg9[%swap3A_167, %swap3A_168] {strides = array<i32>} : memref<128x128xf32, #tpu.memory_space<vmem>>, vector<1x16xf32>,
      %swap3A_170 = vector.shape_cast %swap3A_169 : vector<1x16xf32> to vector<16xf32>
      %swap3A_171 = vector.shape_cast %broadcast_in_dim3A_166 : vector<16xf32> to vector<1x16xf32>
      tpu.vector_store %arg9[%swap3A_167, %swap3A_168], %swap3A_171 {strides = array<i32>} : memref<128x128xf32, #tpu.memory_space<vmem>>, vector<1x16xf32>,
    }
    %scan3A_11 = arith.constant 80 : i32
    %lt3A = arith.constant 15 : i32
    %lt3A_12 = arith.cmpi slt, %arg1, %lt3A : i32
    %jit3A = arith.constant 8 : i32
    %jit3A_13 = arith.constant 5 : i32
    %select_n3A = arith.select %lt3A_12, %jit3A, %jit3A_13 : i32
    %sub3A = arith.constant 0 : i32
    %sub3A_14 = arith.subi %select_n3A, %sub3A : i32
    %sub3A_15 = arith.constant 1 : i32
    %sub3A_16 = arith.constant 1 : i32
    %sub3A_17 = arith.subi %sub3A_15, %sub3A_16 : i32
    %add3A_18 = arith.addi %sub3A_14, %sub3A_17 : i32
    %div3A = arith.constant 1 : i32
    %div3A_19 = arith.divsi %add3A_18, %div3A : i32
    %while3A = arith.constant 1 : i32
    %while3A_20 = arith.constant 0 : i32
    %while3A_21 = arith.constant 0 : i32
    %while3A_22 = arith.subi %div3A_19, %while3A_21 : i32
    %while3A_23 = arith.addi %while3A_21, %while3A_22 : i32
    %while3A_24 = arith.constant 1 : i32
    %while3A_25 = arith.divsi %while3A_22, %while3A_24 : i32
    %while3A_26 = arith.muli %while3A_25, %while3A_24 : i32
    %while3A_27 = arith.addi %while3A_21, %while3A_26 : i32
    %while3A_28 = arith.constant 1 : i32
    scf.for %while3A_113 = %while3A_21 to %while3A_27 step %while3A_28  : i32 {
      %mul3A_114 = arith.muli %while3A_113, %while3A : i32
      %add3A_115 = arith.addi %while3A_20, %mul3A_114 : i32
      %mul3A_116 = arith.constant 640 : i32
      %mul3A_117 = arith.muli %arg1, %mul3A_116 : i32
      %mul3A_118 = arith.constant 80 : i32
      %mul3A_119 = arith.muli %add3A_115, %mul3A_118 : i32
      %add3A_120 = arith.addi %mul3A_117, %mul3A_119 : i32
      %dma_start3A_121 = arith.constant 0 : i32
      %dma_start3A_122 = arith.constant 0 : i32
      %dma_start3A_123 = tpu.memref_slice %arg9[%dma_start3A_121, %dma_start3A_122] : memref<128x128xf32, #tpu.memory_space<vmem>> -> memref<80x128xf32, #tpu.memory_space<vmem>>
      %dma_start3A_124 = arith.constant 0 : i32
      %dma_start3A_125 = tpu.memref_slice %arg11[%add3A_120, %dma_start3A_124] : memref<10240x128xf32, #tpu.memory_space<vmem_shared>> -> memref<80x128xf32, #tpu.memory_space<vmem_shared>>
      %dma_start3A_126 = arith.constant 0 : i32
      %dma_start3A_127 = tpu.memref_slice %arg11[%add3A_120, %dma_start3A_126] : memref<10240x128xf32, #tpu.memory_space<vmem_shared>> -> memref<80x128xf32, #tpu.memory_space<vmem_shared>>
      %dma_start3A_128 = arith.constant 0 : i32
      %dma_start3A_129 = arith.constant 0 : i32
      %dma_start3A_130 = tpu.memref_slice %arg9[%dma_start3A_128, %dma_start3A_129] : memref<128x128xf32, #tpu.memory_space<vmem>> -> memref<80x128xf32, #tpu.memory_space<vmem>>
      tpu.enqueue_dma source(%dma_start3A_130 : memref<80x128xf32, #tpu.memory_space<vmem>>) target(%dma_start3A_127 : memref<80x128xf32, #tpu.memory_space<vmem_shared>>) target_semaphore(%arg12 : memref<!tpu.dma_semaphore, #tpu.memory_space<semaphore_mem>>)
    }
    %while3A_29 = arith.constant 1 : i32
    scf.for %while3A_113 = %while3A_27 to %while3A_23 step %while3A_29  : i32 {
      %mul3A_114 = arith.muli %while3A_113, %while3A : i32
      %add3A_115 = arith.addi %while3A_20, %mul3A_114 : i32
      %mul3A_116 = arith.constant 640 : i32
      %mul3A_117 = arith.muli %arg1, %mul3A_116 : i32
      %mul3A_118 = arith.constant 80 : i32
      %mul3A_119 = arith.muli %add3A_115, %mul3A_118 : i32
      %add3A_120 = arith.addi %mul3A_117, %mul3A_119 : i32
      %dma_start3A_121 = arith.constant 0 : i32
      %dma_start3A_122 = arith.constant 0 : i32
      %dma_start3A_123 = tpu.memref_slice %arg9[%dma_start3A_121, %dma_start3A_122] : memref<128x128xf32, #tpu.memory_space<vmem>> -> memref<80x128xf32, #tpu.memory_space<vmem>>
      %dma_start3A_124 = arith.constant 0 : i32
      %dma_start3A_125 = tpu.memref_slice %arg11[%add3A_120, %dma_start3A_124] : memref<10240x128xf32, #tpu.memory_space<vmem_shared>> -> memref<80x128xf32, #tpu.memory_space<vmem_shared>>
      %dma_start3A_126 = arith.constant 0 : i32
      %dma_start3A_127 = tpu.memref_slice %arg11[%add3A_120, %dma_start3A_126] : memref<10240x128xf32, #tpu.memory_space<vmem_shared>> -> memref<80x128xf32, #tpu.memory_space<vmem_shared>>
      %dma_start3A_128 = arith.constant 0 : i32
      %dma_start3A_129 = arith.constant 0 : i32
      %dma_start3A_130 = tpu.memref_slice %arg9[%dma_start3A_128, %dma_start3A_129] : memref<128x128xf32, #tpu.memory_space<vmem>> -> memref<80x128xf32, #tpu.memory_space<vmem>>
      tpu.enqueue_dma source(%dma_start3A_130 : memref<80x128xf32, #tpu.memory_space<vmem>>) target(%dma_start3A_127 : memref<80x128xf32, #tpu.memory_space<vmem_shared>>) target_semaphore(%arg12 : memref<!tpu.dma_semaphore, #tpu.memory_space<semaphore_mem>>)
    }
    %sub3A_30 = arith.constant 0 : i32
    %sub3A_31 = arith.subi %select_n3A, %sub3A_30 : i32
    %sub3A_32 = arith.constant 1 : i32
    %sub3A_33 = arith.constant 1 : i32
    %sub3A_34 = arith.subi %sub3A_32, %sub3A_33 : i32
    %add3A_35 = arith.addi %sub3A_31, %sub3A_34 : i32
    %div3A_36 = arith.constant 1 : i32
    %div3A_37 = arith.divsi %add3A_35, %div3A_36 : i32
    %while3A_38 = arith.constant 1 : i32
    %while3A_39 = arith.constant 0 : i32
    %while3A_40 = arith.constant 0 : i32
    %while3A_41 = arith.subi %div3A_37, %while3A_40 : i32
    %while3A_42 = arith.addi %while3A_40, %while3A_41 : i32
    %while3A_43 = arith.constant 1 : i32
    %while3A_44 = arith.divsi %while3A_41, %while3A_43 : i32
    %while3A_45 = arith.muli %while3A_44, %while3A_43 : i32
    %while3A_46 = arith.addi %while3A_40, %while3A_45 : i32
    %while3A_47 = arith.constant 1 : i32
    scf.for %while3A_113 = %while3A_40 to %while3A_46 step %while3A_47  : i32 {
      %mul3A_114 = arith.muli %while3A_113, %while3A_38 : i32
      %add3A_115 = arith.addi %while3A_39, %mul3A_114 : i32
      %mul3A_116 = arith.constant 640 : i32
      %mul3A_117 = arith.muli %arg1, %mul3A_116 : i32
      %dma_wait3A_118 = arith.constant 0 : i32
      %dma_wait3A_119 = arith.constant 0 : i32
      %dma_wait3A_120 = tpu.memref_slice %arg9[%dma_wait3A_118, %dma_wait3A_119] : memref<128x128xf32, #tpu.memory_space<vmem>> -> memref<80x128xf32, #tpu.memory_space<vmem>>
      %dma_wait3A_121 = arith.constant 0 : i32
      %dma_wait3A_122 = tpu.memref_slice %arg11[%mul3A_117, %dma_wait3A_121] : memref<10240x128xf32, #tpu.memory_space<vmem_shared>> -> memref<80x128xf32, #tpu.memory_space<vmem_shared>>
      %dma_wait3A_123 = arith.constant 0 : i32
      %dma_wait3A_124 = tpu.memref_slice %arg11[%mul3A_117, %dma_wait3A_123] : memref<10240x128xf32, #tpu.memory_space<vmem_shared>> -> memref<80x128xf32, #tpu.memory_space<vmem_shared>>
      %dma_wait3A_125 = arith.constant 0 : i32
      %dma_wait3A_126 = arith.constant 0 : i32
      %dma_wait3A_127 = tpu.memref_slice %arg9[%dma_wait3A_125, %dma_wait3A_126] : memref<128x128xf32, #tpu.memory_space<vmem>> -> memref<80x128xf32, #tpu.memory_space<vmem>>
      tpu.wait_dma2 semaphore(%arg12 : memref<!tpu.dma_semaphore, #tpu.memory_space<semaphore_mem>>) src(%dma_wait3A_127 : memref<80x128xf32, #tpu.memory_space<vmem>>) dst(%dma_wait3A_124 : memref<80x128xf32, #tpu.memory_space<vmem_shared>>)
    }
    %while3A_48 = arith.constant 1 : i32
    scf.for %while3A_113 = %while3A_46 to %while3A_42 step %while3A_48  : i32 {
      %mul3A_114 = arith.muli %while3A_113, %while3A_38 : i32
      %add3A_115 = arith.addi %while3A_39, %mul3A_114 : i32
      %mul3A_116 = arith.constant 640 : i32
      %mul3A_117 = arith.muli %arg1, %mul3A_116 : i32
      %dma_wait3A_118 = arith.constant 0 : i32
      %dma_wait3A_119 = arith.constant 0 : i32
      %dma_wait3A_120 = tpu.memref_slice %arg9[%dma_wait3A_118, %dma_wait3A_119] : memref<128x128xf32, #tpu.memory_space<vmem>> -> memref<80x128xf32, #tpu.memory_space<vmem>>
      %dma_wait3A_121 = arith.constant 0 : i32
      %dma_wait3A_122 = tpu.memref_slice %arg11[%mul3A_117, %dma_wait3A_121] : memref<10240x128xf32, #tpu.memory_space<vmem_shared>> -> memref<80x128xf32, #tpu.memory_space<vmem_shared>>
      %dma_wait3A_123 = arith.constant 0 : i32
      %dma_wait3A_124 = tpu.memref_slice %arg11[%mul3A_117, %dma_wait3A_123] : memref<10240x128xf32, #tpu.memory_space<vmem_shared>> -> memref<80x128xf32, #tpu.memory_space<vmem_shared>>
      %dma_wait3A_125 = arith.constant 0 : i32
      %dma_wait3A_126 = arith.constant 0 : i32
      %dma_wait3A_127 = tpu.memref_slice %arg9[%dma_wait3A_125, %dma_wait3A_126] : memref<128x128xf32, #tpu.memory_space<vmem>> -> memref<80x128xf32, #tpu.memory_space<vmem>>
      tpu.wait_dma2 semaphore(%arg12 : memref<!tpu.dma_semaphore, #tpu.memory_space<semaphore_mem>>) src(%dma_wait3A_127 : memref<80x128xf32, #tpu.memory_space<vmem>>) dst(%dma_wait3A_124 : memref<80x128xf32, #tpu.memory_space<vmem_shared>>)
    }
    %dma_wait3A = arith.constant 0 : i32
    %dma_wait3A_49 = arith.constant 0 : i32
    %dma_wait3A_50 = tpu.memref_slice %arg3[%add3A, %dma_wait3A, %dma_wait3A_49] : memref<32x80x128xi32, #tpu.memory_space<hbm>> -> memref<1x80x128xi32, #tpu.memory_space<hbm>>
    %dma_wait3A_51 = tpu.memref_squeeze %dma_wait3A_50 : memref<1x80x128xi32, #tpu.memory_space<hbm>> -> memref<80x128xi32, #tpu.memory_space<hbm>>
    %dma_wait3A_52 = arith.constant 0 : i32
    %dma_wait3A_53 = arith.constant 0 : i32
    %dma_wait3A_54 = tpu.memref_slice %arg3[%add3A, %dma_wait3A_52, %dma_wait3A_53] : memref<32x80x128xi32, #tpu.memory_space<hbm>> -> memref<1x80x128xi32, #tpu.memory_space<hbm>>
    %dma_wait3A_55 = tpu.memref_squeeze %dma_wait3A_54 : memref<1x80x128xi32, #tpu.memory_space<hbm>> -> memref<80x128xi32, #tpu.memory_space<hbm>>
    tpu.wait_dma2 semaphore(%arg16 : memref<!tpu.dma_semaphore, #tpu.memory_space<semaphore_mem>>) src(%dma_wait3A_55 : memref<80x128xi32, #tpu.memory_space<hbm>>) dst(%arg6 : memref<80x128xi32, #tpu.memory_space<vmem>>)
    %dma_start3A_56 = arith.constant 0 : i32
    %dma_start3A_57 = arith.constant 0 : i32
    %dma_start3A_58 = arith.constant 0 : i32
    %dma_start3A_59 = tpu.memref_slice %arg7[%dma_start3A_57, %dma_start3A_58] : memref<1x128xi32, #tpu.memory_space<vmem>> -> memref<1x128xi32, #tpu.memory_space<vmem>>
    %dma_start3A_60 = tpu.memref_squeeze %dma_start3A_59 : memref<1x128xi32, #tpu.memory_space<vmem>> -> memref<128xi32, #tpu.memory_space<vmem>>
    %dma_start3A_61 = arith.constant 0 : i32
    %dma_start3A_62 = tpu.memref_slice %arg4[%add3A, %dma_start3A_56, %dma_start3A_61] : memref<32x80x128xi32, #tpu.memory_space<hbm>> -> memref<1x1x128xi32, #tpu.memory_space<hbm>>
    %dma_start3A_63 = tpu.memref_squeeze %dma_start3A_62 : memref<1x1x128xi32, #tpu.memory_space<hbm>> -> memref<128xi32, #tpu.memory_space<hbm>>
    %dma_start3A_64 = arith.constant 0 : i32
    %dma_start3A_65 = tpu.memref_slice %arg7[%dma_start3A_57, %dma_start3A_64] : memref<1x128xi32, #tpu.memory_space<vmem>> -> memref<1x128xi32, #tpu.memory_space<vmem>>
    %dma_start3A_66 = tpu.memref_squeeze %dma_start3A_65 : memref<1x128xi32, #tpu.memory_space<vmem>> -> memref<128xi32, #tpu.memory_space<vmem>>
    %dma_start3A_67 = arith.constant 0 : i32
    %dma_start3A_68 = tpu.memref_slice %arg4[%add3A, %dma_start3A_56, %dma_start3A_67] : memref<32x80x128xi32, #tpu.memory_space<hbm>> -> memref<1x1x128xi32, #tpu.memory_space<hbm>>
    %dma_start3A_69 = tpu.memref_squeeze %dma_start3A_68 : memref<1x1x128xi32, #tpu.memory_space<hbm>> -> memref<128xi32, #tpu.memory_space<hbm>>
    tpu.enqueue_dma source(%dma_start3A_69 : memref<128xi32, #tpu.memory_space<hbm>>) target(%dma_start3A_66 : memref<128xi32, #tpu.memory_space<vmem>>) target_semaphore(%arg12 : memref<!tpu.dma_semaphore, #tpu.memory_space<semaphore_mem>>)
    %dma_start3A_70 = arith.constant 0 : i32
    %dma_start3A_71 = arith.constant 0 : i32
    %dma_start3A_72 = tpu.memref_slice %arg6[%dma_start3A_70, %dma_start3A_71] : memref<80x128xi32, #tpu.memory_space<vmem>> -> memref<1x128xi32, #tpu.memory_space<vmem>>
    %dma_start3A_73 = tpu.memref_squeeze %dma_start3A_72 : memref<1x128xi32, #tpu.memory_space<vmem>> -> memref<128xi32, #tpu.memory_space<vmem>>
    %dma_start3A_74 = arith.constant 0 : i32
    %dma_start3A_75 = arith.constant 0 : i32
    %dma_start3A_76 = tpu.memref_slice %arg2[%dma_start3A_74, %dma_start3A_75] : memref<10000x128xf32, #tpu.memory_space<hbm>> -> memref<10000x128xf32, #tpu.memory_space<hbm>>
    tpu.enqueue_indirect_dma source(%dma_start3A_76 : memref<10000x128xf32, #tpu.memory_space<hbm>>) target(%arg9 : memref<128x128xf32, #tpu.memory_space<vmem>>) offsets(%dma_start3A_73 : memref<128xi32, #tpu.memory_space<vmem>>) semaphore(%arg14 : memref<!tpu.dma_semaphore, #tpu.memory_space<semaphore_mem>>)
    %dma_start3A_77 = arith.constant 1 : i32
    %dma_start3A_78 = arith.constant 0 : i32
    %dma_start3A_79 = arith.constant 0 : i32
    %dma_start3A_80 = tpu.memref_slice %arg8[%dma_start3A_78, %dma_start3A_79] : memref<1x128xi32, #tpu.memory_space<vmem>> -> memref<1x128xi32, #tpu.memory_space<vmem>>
    %dma_start3A_81 = tpu.memref_squeeze %dma_start3A_80 : memref<1x128xi32, #tpu.memory_space<vmem>> -> memref<128xi32, #tpu.memory_space<vmem>>
    %dma_start3A_82 = arith.constant 0 : i32
    %dma_start3A_83 = tpu.memref_slice %arg4[%add3A, %dma_start3A_77, %dma_start3A_82] : memref<32x80x128xi32, #tpu.memory_space<hbm>> -> memref<1x1x128xi32, #tpu.memory_space<hbm>>
    %dma_start3A_84 = tpu.memref_squeeze %dma_start3A_83 : memref<1x1x128xi32, #tpu.memory_space<hbm>> -> memref<128xi32, #tpu.memory_space<hbm>>
    %dma_start3A_85 = arith.constant 0 : i32
    %dma_start3A_86 = tpu.memref_slice %arg8[%dma_start3A_78, %dma_start3A_85] : memref<1x128xi32, #tpu.memory_space<vmem>> -> memref<1x128xi32, #tpu.memory_space<vmem>>
    %dma_start3A_87 = tpu.memref_squeeze %dma_start3A_86 : memref<1x128xi32, #tpu.memory_space<vmem>> -> memref<128xi32, #tpu.memory_space<vmem>>
    %dma_start3A_88 = arith.constant 0 : i32
    %dma_start3A_89 = tpu.memref_slice %arg4[%add3A, %dma_start3A_77, %dma_start3A_88] : memref<32x80x128xi32, #tpu.memory_space<hbm>> -> memref<1x1x128xi32, #tpu.memory_space<hbm>>
    %dma_start3A_90 = tpu.memref_squeeze %dma_start3A_89 : memref<1x1x128xi32, #tpu.memory_space<hbm>> -> memref<128xi32, #tpu.memory_space<hbm>>
    tpu.enqueue_dma source(%dma_start3A_90 : memref<128xi32, #tpu.memory_space<hbm>>) target(%dma_start3A_87 : memref<128xi32, #tpu.memory_space<vmem>>) target_semaphore(%arg13 : memref<!tpu.dma_semaphore, #tpu.memory_space<semaphore_mem>>)
    %dma_start3A_91 = arith.constant 1 : i32
    %dma_start3A_92 = arith.constant 0 : i32
    %dma_start3A_93 = tpu.memref_slice %arg6[%dma_start3A_91, %dma_start3A_92] : memref<80x128xi32, #tpu.memory_space<vmem>> -> memref<1x128xi32, #tpu.memory_space<vmem>>
    %dma_start3A_94 = tpu.memref_squeeze %dma_start3A_93 : memref<1x128xi32, #tpu.memory_space<vmem>> -> memref<128xi32, #tpu.memory_space<vmem>>
    %dma_start3A_95 = arith.constant 0 : i32
    %dma_start3A_96 = arith.constant 0 : i32
    %dma_start3A_97 = tpu.memref_slice %arg2[%dma_start3A_95, %dma_start3A_96] : memref<10000x128xf32, #tpu.memory_space<hbm>> -> memref<10000x128xf32, #tpu.memory_space<hbm>>
    tpu.enqueue_indirect_dma source(%dma_start3A_97 : memref<10000x128xf32, #tpu.memory_space<hbm>>) target(%arg10 : memref<128x128xf32, #tpu.memory_space<vmem>>) offsets(%dma_start3A_94 : memref<128xi32, #tpu.memory_space<vmem>>) semaphore(%arg15 : memref<!tpu.dma_semaphore, #tpu.memory_space<semaphore_mem>>)
    %barrier3A = arith.constant 0 : index
    tpu.barrier barrier_id(%barrier3A)
    %scan3A_98 = arith.constant 0 : i32
    %scan3A_99 = arith.constant 40 : i32
    %scan3A_100 = arith.addi %scan3A_98, %scan3A_99 : i32
    %scan3A_101 = arith.constant 1 : i32
    scf.for %scan3A_113 = %scan3A_98 to %scan3A_100 step %scan3A_101  : i32 {
      %mul3A_114 = arith.constant 1 : i32
      %mul3A_115 = arith.muli %scan3A_113, %mul3A_114 : i32
      %add3A_116 = arith.constant 0 : i32
      %add3A_117 = arith.addi %add3A_116, %mul3A_115 : i32
      %mul3A_118 = arith.constant 2 : i32
      %mul3A_119 = arith.muli %mul3A_118, %add3A_117 : i32
      %add3A_120 = arith.constant 0 : i32
      %add3A_121 = arith.addi %mul3A_119, %add3A_120 : i32
      %dma_wait3A_122 = arith.constant 0 : i32
      %dma_wait3A_123 = tpu.memref_slice %arg6[%add3A_121, %dma_wait3A_122] : memref<80x128xi32, #tpu.memory_space<vmem>> -> memref<1x128xi32, #tpu.memory_space<vmem>>
      %dma_wait3A_124 = tpu.memref_squeeze %dma_wait3A_123 : memref<1x128xi32, #tpu.memory_space<vmem>> -> memref<128xi32, #tpu.memory_space<vmem>>
      %dma_wait3A_125 = arith.constant 0 : i32
      %dma_wait3A_126 = arith.constant 0 : i32
      %dma_wait3A_127 = tpu.memref_slice %arg2[%dma_wait3A_125, %dma_wait3A_126] : memref<10000x128xf32, #tpu.memory_space<hbm>> -> memref<10000x128xf32, #tpu.memory_space<hbm>>
      tpu.wait_indirect_dma semaphore(%arg14 : memref<!tpu.dma_semaphore, #tpu.memory_space<semaphore_mem>>) src(%dma_wait3A_127 : memref<10000x128xf32, #tpu.memory_space<hbm>>) dst(%arg9 : memref<128x128xf32, #tpu.memory_space<vmem>>)
      %dma_wait3A_128 = arith.constant 0 : i32
      %dma_wait3A_129 = arith.constant 0 : i32
      %dma_wait3A_130 = tpu.memref_slice %arg7[%dma_wait3A_128, %dma_wait3A_129] : memref<1x128xi32, #tpu.memory_space<vmem>> -> memref<1x128xi32, #tpu.memory_space<vmem>>
      %dma_wait3A_131 = tpu.memref_squeeze %dma_wait3A_130 : memref<1x128xi32, #tpu.memory_space<vmem>> -> memref<128xi32, #tpu.memory_space<vmem>>
      %dma_wait3A_132 = arith.constant 0 : i32
      %dma_wait3A_133 = tpu.memref_slice %arg4[%add3A, %add3A_121, %dma_wait3A_132] : memref<32x80x128xi32, #tpu.memory_space<hbm>> -> memref<1x1x128xi32, #tpu.memory_space<hbm>>
      %dma_wait3A_134 = tpu.memref_squeeze %dma_wait3A_133 : memref<1x1x128xi32, #tpu.memory_space<hbm>> -> memref<128xi32, #tpu.memory_space<hbm>>
      %dma_wait3A_135 = arith.constant 0 : i32
      %dma_wait3A_136 = tpu.memref_slice %arg7[%dma_wait3A_128, %dma_wait3A_135] : memref<1x128xi32, #tpu.memory_space<vmem>> -> memref<1x128xi32, #tpu.memory_space<vmem>>
      %dma_wait3A_137 = tpu.memref_squeeze %dma_wait3A_136 : memref<1x128xi32, #tpu.memory_space<vmem>> -> memref<128xi32, #tpu.memory_space<vmem>>
      %dma_wait3A_138 = arith.constant 0 : i32
      %dma_wait3A_139 = tpu.memref_slice %arg4[%add3A, %add3A_121, %dma_wait3A_138] : memref<32x80x128xi32, #tpu.memory_space<hbm>> -> memref<1x1x128xi32, #tpu.memory_space<hbm>>
      %dma_wait3A_140 = tpu.memref_squeeze %dma_wait3A_139 : memref<1x1x128xi32, #tpu.memory_space<hbm>> -> memref<128xi32, #tpu.memory_space<hbm>>
      tpu.wait_dma2 semaphore(%arg12 : memref<!tpu.dma_semaphore, #tpu.memory_space<semaphore_mem>>) src(%dma_wait3A_140 : memref<128xi32, #tpu.memory_space<hbm>>) dst(%dma_wait3A_137 : memref<128xi32, #tpu.memory_space<vmem>>)
      %run_scoped3A = arith.constant 0 : i32
      "tpu.region"() ({
        %run_scoped3A_179 = tpu.sem_alloc : memref<!tpu.dma_semaphore, #tpu.memory_space<semaphore_mem>>
        %dma_start3A_180 = arith.constant 0 : i32
        %dma_start3A_181 = tpu.memref_slice %arg7[%run_scoped3A, %dma_start3A_180] : memref<1x128xi32, #tpu.memory_space<vmem>> -> memref<1x128xi32, #tpu.memory_space<vmem>>
        %dma_start3A_182 = tpu.memref_squeeze %dma_start3A_181 : memref<1x128xi32, #tpu.memory_space<vmem>> -> memref<128xi32, #tpu.memory_space<vmem>>
        %dma_start3A_183 = arith.constant 0 : i32
        %dma_start3A_184 = arith.constant 0 : i32
        %dma_start3A_185 = tpu.memref_slice %arg11[%dma_start3A_183, %dma_start3A_184] : memref<10240x128xf32, #tpu.memory_space<vmem_shared>> -> memref<10240x128xf32, #tpu.memory_space<vmem_shared>>
        tpu.enqueue_indirect_dma source(%arg9 : memref<128x128xf32, #tpu.memory_space<vmem>>) target(%dma_start3A_185 : memref<10240x128xf32, #tpu.memory_space<vmem_shared>>) offsets(%dma_start3A_182 : memref<128xi32, #tpu.memory_space<vmem>>) semaphore(%run_scoped3A_179 : memref<!tpu.dma_semaphore, #tpu.memory_space<semaphore_mem>>) {add = true}
        %dma_wait3A_186 = arith.constant 0 : i32
        %dma_wait3A_187 = tpu.memref_slice %arg7[%run_scoped3A, %dma_wait3A_186] : memref<1x128xi32, #tpu.memory_space<vmem>> -> memref<1x128xi32, #tpu.memory_space<vmem>>
        %dma_wait3A_188 = tpu.memref_squeeze %dma_wait3A_187 : memref<1x128xi32, #tpu.memory_space<vmem>> -> memref<128xi32, #tpu.memory_space<vmem>>
        %dma_wait3A_189 = arith.constant 0 : i32
        %dma_wait3A_190 = arith.constant 0 : i32
        %dma_wait3A_191 = tpu.memref_slice %arg11[%dma_wait3A_189, %dma_wait3A_190] : memref<10240x128xf32, #tpu.memory_space<vmem_shared>> -> memref<10240x128xf32, #tpu.memory_space<vmem_shared>>
        tpu.wait_indirect_dma semaphore(%run_scoped3A_179 : memref<!tpu.dma_semaphore, #tpu.memory_space<semaphore_mem>>) src(%arg9 : memref<128x128xf32, #tpu.memory_space<vmem>>) dst(%dma_wait3A_191 : memref<10240x128xf32, #tpu.memory_space<vmem_shared>>)
        tpu.yield
      }) : () -> ()
      %add3A_141 = arith.constant 2 : i32
      %add3A_142 = arith.addi %add3A_121, %add3A_141 : i32
      %lt3A_143 = arith.constant 80 : i32
      %lt3A_144 = arith.cmpi slt, %add3A_142, %lt3A_143 : i32
      %convert_element_type3A_145 = arith.extui %lt3A_144 : i1 to i32
      %cond3A_146 = arith.constant 0 : i32
      %cond3A_147 = arith.cmpi ne, %convert_element_type3A_145, %cond3A_146 : i32
      scf.if %cond3A_147 {
        %add3A_179 = arith.constant 2 : i32
        %add3A_180 = arith.addi %add3A_121, %add3A_179 : i32
        %dma_start3A_181 = arith.constant 0 : i32
        %dma_start3A_182 = arith.constant 0 : i32
        %dma_start3A_183 = tpu.memref_slice %arg7[%dma_start3A_181, %dma_start3A_182] : memref<1x128xi32, #tpu.memory_space<vmem>> -> memref<1x128xi32, #tpu.memory_space<vmem>>
        %dma_start3A_184 = tpu.memref_squeeze %dma_start3A_183 : memref<1x128xi32, #tpu.memory_space<vmem>> -> memref<128xi32, #tpu.memory_space<vmem>>
        %dma_start3A_185 = arith.constant 0 : i32
        %dma_start3A_186 = tpu.memref_slice %arg4[%add3A, %add3A_180, %dma_start3A_185] : memref<32x80x128xi32, #tpu.memory_space<hbm>> -> memref<1x1x128xi32, #tpu.memory_space<hbm>>
        %dma_start3A_187 = tpu.memref_squeeze %dma_start3A_186 : memref<1x1x128xi32, #tpu.memory_space<hbm>> -> memref<128xi32, #tpu.memory_space<hbm>>
        %dma_start3A_188 = arith.constant 0 : i32
        %dma_start3A_189 = tpu.memref_slice %arg7[%dma_start3A_181, %dma_start3A_188] : memref<1x128xi32, #tpu.memory_space<vmem>> -> memref<1x128xi32, #tpu.memory_space<vmem>>
        %dma_start3A_190 = tpu.memref_squeeze %dma_start3A_189 : memref<1x128xi32, #tpu.memory_space<vmem>> -> memref<128xi32, #tpu.memory_space<vmem>>
        %dma_start3A_191 = arith.constant 0 : i32
        %dma_start3A_192 = tpu.memref_slice %arg4[%add3A, %add3A_180, %dma_start3A_191] : memref<32x80x128xi32, #tpu.memory_space<hbm>> -> memref<1x1x128xi32, #tpu.memory_space<hbm>>
        %dma_start3A_193 = tpu.memref_squeeze %dma_start3A_192 : memref<1x1x128xi32, #tpu.memory_space<hbm>> -> memref<128xi32, #tpu.memory_space<hbm>>
        tpu.enqueue_dma source(%dma_start3A_193 : memref<128xi32, #tpu.memory_space<hbm>>) target(%dma_start3A_190 : memref<128xi32, #tpu.memory_space<vmem>>) target_semaphore(%arg12 : memref<!tpu.dma_semaphore, #tpu.memory_space<semaphore_mem>>)
        %add3A_194 = arith.constant 2 : i32
        %add3A_195 = arith.addi %add3A_121, %add3A_194 : i32
        %dma_start3A_196 = arith.constant 0 : i32
        %dma_start3A_197 = tpu.memref_slice %arg6[%add3A_195, %dma_start3A_196] : memref<80x128xi32, #tpu.memory_space<vmem>> -> memref<1x128xi32, #tpu.memory_space<vmem>>
        %dma_start3A_198 = tpu.memref_squeeze %dma_start3A_197 : memref<1x128xi32, #tpu.memory_space<vmem>> -> memref<128xi32, #tpu.memory_space<vmem>>
        %dma_start3A_199 = arith.constant 0 : i32
        %dma_start3A_200 = arith.constant 0 : i32
        %dma_start3A_201 = tpu.memref_slice %arg2[%dma_start3A_199, %dma_start3A_200] : memref<10000x128xf32, #tpu.memory_space<hbm>> -> memref<10000x128xf32, #tpu.memory_space<hbm>>
        tpu.enqueue_indirect_dma source(%dma_start3A_201 : memref<10000x128xf32, #tpu.memory_space<hbm>>) target(%arg9 : memref<128x128xf32, #tpu.memory_space<vmem>>) offsets(%dma_start3A_198 : memref<128xi32, #tpu.memory_space<vmem>>) semaphore(%arg14 : memref<!tpu.dma_semaphore, #tpu.memory_space<semaphore_mem>>)
      } else {
      }
      %mul3A_148 = arith.constant 2 : i32
      %mul3A_149 = arith.muli %mul3A_148, %add3A_117 : i32
      %add3A_150 = arith.constant 1 : i32
      %add3A_151 = arith.addi %mul3A_149, %add3A_150 : i32
      %dma_wait3A_152 = arith.constant 0 : i32
      %dma_wait3A_153 = tpu.memref_slice %arg6[%add3A_151, %dma_wait3A_152] : memref<80x128xi32, #tpu.memory_space<vmem>> -> memref<1x128xi32, #tpu.memory_space<vmem>>
      %dma_wait3A_154 = tpu.memref_squeeze %dma_wait3A_153 : memref<1x128xi32, #tpu.memory_space<vmem>> -> memref<128xi32, #tpu.memory_space<vmem>>
      %dma_wait3A_155 = arith.constant 0 : i32
      %dma_wait3A_156 = arith.constant 0 : i32
      %dma_wait3A_157 = tpu.memref_slice %arg2[%dma_wait3A_155, %dma_wait3A_156] : memref<10000x128xf32, #tpu.memory_space<hbm>> -> memref<10000x128xf32, #tpu.memory_space<hbm>>
      tpu.wait_indirect_dma semaphore(%arg15 : memref<!tpu.dma_semaphore, #tpu.memory_space<semaphore_mem>>) src(%dma_wait3A_157 : memref<10000x128xf32, #tpu.memory_space<hbm>>) dst(%arg10 : memref<128x128xf32, #tpu.memory_space<vmem>>)
      %dma_wait3A_158 = arith.constant 0 : i32
      %dma_wait3A_159 = arith.constant 0 : i32
      %dma_wait3A_160 = tpu.memref_slice %arg8[%dma_wait3A_158, %dma_wait3A_159] : memref<1x128xi32, #tpu.memory_space<vmem>> -> memref<1x128xi32, #tpu.memory_space<vmem>>
      %dma_wait3A_161 = tpu.memref_squeeze %dma_wait3A_160 : memref<1x128xi32, #tpu.memory_space<vmem>> -> memref<128xi32, #tpu.memory_space<vmem>>
      %dma_wait3A_162 = arith.constant 0 : i32
      %dma_wait3A_163 = tpu.memref_slice %arg4[%add3A, %add3A_151, %dma_wait3A_162] : memref<32x80x128xi32, #tpu.memory_space<hbm>> -> memref<1x1x128xi32, #tpu.memory_space<hbm>>
      %dma_wait3A_164 = tpu.memref_squeeze %dma_wait3A_163 : memref<1x1x128xi32, #tpu.memory_space<hbm>> -> memref<128xi32, #tpu.memory_space<hbm>>
      %dma_wait3A_165 = arith.constant 0 : i32
      %dma_wait3A_166 = tpu.memref_slice %arg8[%dma_wait3A_158, %dma_wait3A_165] : memref<1x128xi32, #tpu.memory_space<vmem>> -> memref<1x128xi32, #tpu.memory_space<vmem>>
      %dma_wait3A_167 = tpu.memref_squeeze %dma_wait3A_166 : memref<1x128xi32, #tpu.memory_space<vmem>> -> memref<128xi32, #tpu.memory_space<vmem>>
      %dma_wait3A_168 = arith.constant 0 : i32
      %dma_wait3A_169 = tpu.memref_slice %arg4[%add3A, %add3A_151, %dma_wait3A_168] : memref<32x80x128xi32, #tpu.memory_space<hbm>> -> memref<1x1x128xi32, #tpu.memory_space<hbm>>
      %dma_wait3A_170 = tpu.memref_squeeze %dma_wait3A_169 : memref<1x1x128xi32, #tpu.memory_space<hbm>> -> memref<128xi32, #tpu.memory_space<hbm>>
      tpu.wait_dma2 semaphore(%arg13 : memref<!tpu.dma_semaphore, #tpu.memory_space<semaphore_mem>>) src(%dma_wait3A_170 : memref<128xi32, #tpu.memory_space<hbm>>) dst(%dma_wait3A_167 : memref<128xi32, #tpu.memory_space<vmem>>)
      %run_scoped3A_171 = arith.constant 0 : i32
      "tpu.region"() ({
        %run_scoped3A_179 = tpu.sem_alloc : memref<!tpu.dma_semaphore, #tpu.memory_space<semaphore_mem>>
        %dma_start3A_180 = arith.constant 0 : i32
        %dma_start3A_181 = tpu.memref_slice %arg8[%run_scoped3A_171, %dma_start3A_180] : memref<1x128xi32, #tpu.memory_space<vmem>> -> memref<1x128xi32, #tpu.memory_space<vmem>>
        %dma_start3A_182 = tpu.memref_squeeze %dma_start3A_181 : memref<1x128xi32, #tpu.memory_space<vmem>> -> memref<128xi32, #tpu.memory_space<vmem>>
        %dma_start3A_183 = arith.constant 0 : i32
        %dma_start3A_184 = arith.constant 0 : i32
        %dma_start3A_185 = tpu.memref_slice %arg11[%dma_start3A_183, %dma_start3A_184] : memref<10240x128xf32, #tpu.memory_space<vmem_shared>> -> memref<10240x128xf32, #tpu.memory_space<vmem_shared>>
        tpu.enqueue_indirect_dma source(%arg10 : memref<128x128xf32, #tpu.memory_space<vmem>>) target(%dma_start3A_185 : memref<10240x128xf32, #tpu.memory_space<vmem_shared>>) offsets(%dma_start3A_182 : memref<128xi32, #tpu.memory_space<vmem>>) semaphore(%run_scoped3A_179 : memref<!tpu.dma_semaphore, #tpu.memory_space<semaphore_mem>>) {add = true}
        %dma_wait3A_186 = arith.constant 0 : i32
        %dma_wait3A_187 = tpu.memref_slice %arg8[%run_scoped3A_171, %dma_wait3A_186] : memref<1x128xi32, #tpu.memory_space<vmem>> -> memref<1x128xi32, #tpu.memory_space<vmem>>
        %dma_wait3A_188 = tpu.memref_squeeze %dma_wait3A_187 : memref<1x128xi32, #tpu.memory_space<vmem>> -> memref<128xi32, #tpu.memory_space<vmem>>
        %dma_wait3A_189 = arith.constant 0 : i32
        %dma_wait3A_190 = arith.constant 0 : i32
        %dma_wait3A_191 = tpu.memref_slice %arg11[%dma_wait3A_189, %dma_wait3A_190] : memref<10240x128xf32, #tpu.memory_space<vmem_shared>> -> memref<10240x128xf32, #tpu.memory_space<vmem_shared>>
        tpu.wait_indirect_dma semaphore(%run_scoped3A_179 : memref<!tpu.dma_semaphore, #tpu.memory_space<semaphore_mem>>) src(%arg10 : memref<128x128xf32, #tpu.memory_space<vmem>>) dst(%dma_wait3A_191 : memref<10240x128xf32, #tpu.memory_space<vmem_shared>>)
        tpu.yield
      }) : () -> ()
      %add3A_172 = arith.constant 2 : i32
      %add3A_173 = arith.addi %add3A_151, %add3A_172 : i32
      %lt3A_174 = arith.constant 80 : i32
      %lt3A_175 = arith.cmpi slt, %add3A_173, %lt3A_174 : i32
      %convert_element_type3A_176 = arith.extui %lt3A_175 : i1 to i32
      %cond3A_177 = arith.constant 0 : i32
      %cond3A_178 = arith.cmpi ne, %convert_element_type3A_176, %cond3A_177 : i32
      scf.if %cond3A_178 {
        %add3A_179 = arith.constant 2 : i32
        %add3A_180 = arith.addi %add3A_151, %add3A_179 : i32
        %dma_start3A_181 = arith.constant 0 : i32
        %dma_start3A_182 = arith.constant 0 : i32
        %dma_start3A_183 = tpu.memref_slice %arg8[%dma_start3A_181, %dma_start3A_182] : memref<1x128xi32, #tpu.memory_space<vmem>> -> memref<1x128xi32, #tpu.memory_space<vmem>>
        %dma_start3A_184 = tpu.memref_squeeze %dma_start3A_183 : memref<1x128xi32, #tpu.memory_space<vmem>> -> memref<128xi32, #tpu.memory_space<vmem>>
        %dma_start3A_185 = arith.constant 0 : i32
        %dma_start3A_186 = tpu.memref_slice %arg4[%add3A, %add3A_180, %dma_start3A_185] : memref<32x80x128xi32, #tpu.memory_space<hbm>> -> memref<1x1x128xi32, #tpu.memory_space<hbm>>
        %dma_start3A_187 = tpu.memref_squeeze %dma_start3A_186 : memref<1x1x128xi32, #tpu.memory_space<hbm>> -> memref<128xi32, #tpu.memory_space<hbm>>
        %dma_start3A_188 = arith.constant 0 : i32
        %dma_start3A_189 = tpu.memref_slice %arg8[%dma_start3A_181, %dma_start3A_188] : memref<1x128xi32, #tpu.memory_space<vmem>> -> memref<1x128xi32, #tpu.memory_space<vmem>>
        %dma_start3A_190 = tpu.memref_squeeze %dma_start3A_189 : memref<1x128xi32, #tpu.memory_space<vmem>> -> memref<128xi32, #tpu.memory_space<vmem>>
        %dma_start3A_191 = arith.constant 0 : i32
        %dma_start3A_192 = tpu.memref_slice %arg4[%add3A, %add3A_180, %dma_start3A_191] : memref<32x80x128xi32, #tpu.memory_space<hbm>> -> memref<1x1x128xi32, #tpu.memory_space<hbm>>
        %dma_start3A_193 = tpu.memref_squeeze %dma_start3A_192 : memref<1x1x128xi32, #tpu.memory_space<hbm>> -> memref<128xi32, #tpu.memory_space<hbm>>
        tpu.enqueue_dma source(%dma_start3A_193 : memref<128xi32, #tpu.memory_space<hbm>>) target(%dma_start3A_190 : memref<128xi32, #tpu.memory_space<vmem>>) target_semaphore(%arg13 : memref<!tpu.dma_semaphore, #tpu.memory_space<semaphore_mem>>)
        %add3A_194 = arith.constant 2 : i32
        %add3A_195 = arith.addi %add3A_151, %add3A_194 : i32
        %dma_start3A_196 = arith.constant 0 : i32
        %dma_start3A_197 = tpu.memref_slice %arg6[%add3A_195, %dma_start3A_196] : memref<80x128xi32, #tpu.memory_space<vmem>> -> memref<1x128xi32, #tpu.memory_space<vmem>>
        %dma_start3A_198 = tpu.memref_squeeze %dma_start3A_197 : memref<1x128xi32, #tpu.memory_space<vmem>> -> memref<128xi32, #tpu.memory_space<vmem>>
        %dma_start3A_199 = arith.constant 0 : i32
        %dma_start3A_200 = arith.constant 0 : i32
        %dma_start3A_201 = tpu.memref_slice %arg2[%dma_start3A_199, %dma_start3A_200] : memref<10000x128xf32, #tpu.memory_space<hbm>> -> memref<10000x128xf32, #tpu.memory_space<hbm>>
        tpu.enqueue_indirect_dma source(%dma_start3A_201 : memref<10000x128xf32, #tpu.memory_space<hbm>>) target(%arg10 : memref<128x128xf32, #tpu.memory_space<vmem>>) offsets(%dma_start3A_198 : memref<128xi32, #tpu.memory_space<vmem>>) semaphore(%arg15 : memref<!tpu.dma_semaphore, #tpu.memory_space<semaphore_mem>>)
      } else {
      }
    }
    %scan3A_102 = arith.constant 40 : i32
    %barrier3A_103 = arith.constant 0 : index
    tpu.barrier barrier_id(%barrier3A_103)
    %mul3A_104 = arith.constant 640 : i32
    %mul3A_105 = arith.muli %arg1, %mul3A_104 : i32
    %multiple_of3A = tpu.assume_multiple %mul3A_105, 8 : i32
    %lt3A_106 = arith.constant 15 : i32
    %lt3A_107 = arith.cmpi slt, %arg1, %lt3A_106 : i32
    %convert_element_type3A = arith.extui %lt3A_107 : i1 to i32
    %cond3A = arith.constant 0 : i32
    %cond3A_108 = arith.cmpi ne, %convert_element_type3A, %cond3A : i32
    scf.if %cond3A_108 {
      "tpu.region"() ({
        %run_scoped3A = tpu.sem_alloc : memref<!tpu.dma_semaphore, #tpu.memory_space<semaphore_mem>>
        %dma_start3A_113 = arith.constant 0 : i32
        %dma_start3A_114 = tpu.memref_slice %arg5[%arg0, %multiple_of3A, %dma_start3A_113] : memref<2x10000x128xf32, #tpu.memory_space<hbm>> -> memref<1x640x128xf32, #tpu.memory_space<hbm>>
        %dma_start3A_115 = tpu.memref_squeeze %dma_start3A_114 : memref<1x640x128xf32, #tpu.memory_space<hbm>> -> memref<640x128xf32, #tpu.memory_space<hbm>>
        %dma_start3A_116 = arith.constant 0 : i32
        %dma_start3A_117 = tpu.memref_slice %arg11[%multiple_of3A, %dma_start3A_116] : memref<10240x128xf32, #tpu.memory_space<vmem_shared>> -> memref<640x128xf32, #tpu.memory_space<vmem_shared>>
        tpu.enqueue_dma source(%dma_start3A_117 : memref<640x128xf32, #tpu.memory_space<vmem_shared>>) target(%dma_start3A_115 : memref<640x128xf32, #tpu.memory_space<hbm>>) target_semaphore(%run_scoped3A : memref<!tpu.dma_semaphore, #tpu.memory_space<semaphore_mem>>)
        %dma_wait3A_118 = arith.constant 0 : i32
        %dma_wait3A_119 = tpu.memref_slice %arg5[%arg0, %multiple_of3A, %dma_wait3A_118] : memref<2x10000x128xf32, #tpu.memory_space<hbm>> -> memref<1x640x128xf32, #tpu.memory_space<hbm>>
        %dma_wait3A_120 = tpu.memref_squeeze %dma_wait3A_119 : memref<1x640x128xf32, #tpu.memory_space<hbm>> -> memref<640x128xf32, #tpu.memory_space<hbm>>
        %dma_wait3A_121 = arith.constant 0 : i32
        %dma_wait3A_122 = tpu.memref_slice %arg11[%multiple_of3A, %dma_wait3A_121] : memref<10240x128xf32, #tpu.memory_space<vmem_shared>> -> memref<640x128xf32, #tpu.memory_space<vmem_shared>>
        tpu.wait_dma2 semaphore(%run_scoped3A : memref<!tpu.dma_semaphore, #tpu.memory_space<semaphore_mem>>) src(%dma_wait3A_122 : memref<640x128xf32, #tpu.memory_space<vmem_shared>>) dst(%dma_wait3A_120 : memref<640x128xf32, #tpu.memory_space<hbm>>)
        tpu.yield
      }) : () -> ()
    } else {
    }
    %eq3A = arith.constant 15 : i32
    %eq3A_109 = arith.cmpi eq, %arg1, %eq3A : i32
    %convert_element_type3A_110 = arith.extui %eq3A_109 : i1 to i32
    %cond3A_111 = arith.constant 0 : i32
    %cond3A_112 = arith.cmpi ne, %convert_element_type3A_110, %cond3A_111 : i32
    scf.if %cond3A_112 {
      "tpu.region"() ({
        %run_scoped3A = tpu.sem_alloc : memref<!tpu.dma_semaphore, #tpu.memory_space<semaphore_mem>>
        %dma_start3A_113 = arith.constant 9600 : i32
        %dma_start3A_114 = arith.constant 0 : i32
        %dma_start3A_115 = tpu.memref_slice %arg5[%arg0, %dma_start3A_113, %dma_start3A_114] : memref<2x10000x128xf32, #tpu.memory_space<hbm>> -> memref<1x400x128xf32, #tpu.memory_space<hbm>>
        %dma_start3A_116 = tpu.memref_squeeze %dma_start3A_115 : memref<1x400x128xf32, #tpu.memory_space<hbm>> -> memref<400x128xf32, #tpu.memory_space<hbm>>
        %dma_start3A_117 = arith.constant 9600 : i32
        %dma_start3A_118 = arith.constant 0 : i32
        %dma_start3A_119 = tpu.memref_slice %arg11[%dma_start3A_117, %dma_start3A_118] : memref<10240x128xf32, #tpu.memory_space<vmem_shared>> -> memref<400x128xf32, #tpu.memory_space<vmem_shared>>
        tpu.enqueue_dma source(%dma_start3A_119 : memref<400x128xf32, #tpu.memory_space<vmem_shared>>) target(%dma_start3A_116 : memref<400x128xf32, #tpu.memory_space<hbm>>) target_semaphore(%run_scoped3A : memref<!tpu.dma_semaphore, #tpu.memory_space<semaphore_mem>>)
        %dma_wait3A_120 = arith.constant 9600 : i32
        %dma_wait3A_121 = arith.constant 0 : i32
        %dma_wait3A_122 = tpu.memref_slice %arg5[%arg0, %dma_wait3A_120, %dma_wait3A_121] : memref<2x10000x128xf32, #tpu.memory_space<hbm>> -> memref<1x400x128xf32, #tpu.memory_space<hbm>>
        %dma_wait3A_123 = tpu.memref_squeeze %dma_wait3A_122 : memref<1x400x128xf32, #tpu.memory_space<hbm>> -> memref<400x128xf32, #tpu.memory_space<hbm>>
        %dma_wait3A_124 = arith.constant 9600 : i32
        %dma_wait3A_125 = arith.constant 0 : i32
        %dma_wait3A_126 = tpu.memref_slice %arg11[%dma_wait3A_124, %dma_wait3A_125] : memref<10240x128xf32, #tpu.memory_space<vmem_shared>> -> memref<400x128xf32, #tpu.memory_space<vmem_shared>>
        tpu.wait_dma2 semaphore(%run_scoped3A : memref<!tpu.dma_semaphore, #tpu.memory_space<semaphore_mem>>) src(%dma_wait3A_126 : memref<400x128xf32, #tpu.memory_space<vmem_shared>>) dst(%dma_wait3A_123 : memref<400x128xf32, #tpu.memory_space<hbm>>)
        tpu.yield
      }) : () -> ()
    } else {
    }
    return
  }
}

module attributes {stable_mosaic.version = 14 : i64} {
  func.func @body(%arg0: i32, %arg1: memref<2x2000x128xf32, #tpu.memory_space<vmem>>, %arg2: memref<128x64xf32, #tpu.memory_space<vmem>>, %arg3: memref<1x64xf32, #tpu.memory_space<vmem>>, %arg4: memref<64x128xf32, #tpu.memory_space<vmem>>, %arg5: memref<1x128xf32, #tpu.memory_space<vmem>>, %arg6: memref<2000x128xf32, #tpu.memory_space<vmem>>) attributes {dimension_semantics = [#tpu.dimension_semantics<arbitrary>], iteration_bounds = array<i64: 5>, scalar_prefetch = 0 : i64, scratch_operands = 0 : i64, tpu.core_type = #tpu.core_type<tc>, window_params = [{transform_indices = @transform_0, window_bounds = array<i64: 2, 2000, 128>}, {pipeline_mode = #tpu.pipeline_mode<synchronous>, transform_indices = @transform_1, window_bounds = array<i64: 128, 64>}, {pipeline_mode = #tpu.pipeline_mode<synchronous>, transform_indices = @transform_2, window_bounds = array<i64: 1, 64>}, {pipeline_mode = #tpu.pipeline_mode<synchronous>, transform_indices = @transform_3, window_bounds = array<i64: 64, 128>}, {pipeline_mode = #tpu.pipeline_mode<synchronous>, transform_indices = @transform_4, window_bounds = array<i64: 1, 128>}, {transform_indices = @transform_5, window_bounds = array<i64: 2000, 128>}]} {
    %get3A = arith.constant 0 : index
    %get3A_0 = arith.constant 0 : index
    %get3A_1 = arith.constant 0 : index
    %get3A_2 = vector.load %arg1[%get3A, %get3A_0, %get3A_1] : memref<2x2000x128xf32, #tpu.memory_space<vmem>>, vector<1x2000x128xf32>
    %get3A_3 = vector.shape_cast %get3A_2 : vector<1x2000x128xf32> to vector<2000x128xf32>
    %get3A_4 = arith.constant 1 : index
    %get3A_5 = arith.constant 0 : index
    %get3A_6 = arith.constant 0 : index
    %get3A_7 = vector.load %arg1[%get3A_4, %get3A_5, %get3A_6] : memref<2x2000x128xf32, #tpu.memory_space<vmem>>, vector<1x2000x128xf32>
    %get3A_8 = vector.shape_cast %get3A_7 : vector<1x2000x128xf32> to vector<2000x128xf32>
    %add3A = arith.addf %get3A_3, %get3A_8 : vector<2000x128xf32>
    %convert_element_type3A = arith.truncf %add3A : vector<2000x128xf32> to vector<2000x128xbf16>
    %get3A_9 = arith.constant 0 : index
    %get3A_10 = arith.constant 0 : index
    %get3A_11 = vector.load %arg2[%get3A_9, %get3A_10] : memref<128x64xf32, #tpu.memory_space<vmem>>, vector<128x64xf32>
    %convert_element_type3A_12 = arith.truncf %get3A_11 : vector<128x64xf32> to vector<128x64xbf16>
    %dot_general3A = arith.constant dense<0.000000e+00> : vector<2000x64xf32>
    %dot_general3A_13 = tpu.matmul %convert_element_type3A, %convert_element_type3A_12, %dot_general3A {dimension_numbers = #tpu.dot_dimension_numbers<[1], [0], [0], [1], [0, 0, 1, 1], [], []>, transpose_lhs_hint = false} : vector<2000x128xbf16>, vector<128x64xbf16>, vector<2000x64xf32> -> vector<2000x64xf32>
    %get3A_14 = arith.constant 0 : index
    %get3A_15 = arith.constant 0 : index
    %get3A_16 = vector.load %arg3[%get3A_14, %get3A_15] : memref<1x64xf32, #tpu.memory_space<vmem>>, vector<1x64xf32>
    %add3A_17 = vector.broadcast %get3A_16 : vector<1x64xf32> to vector<2000x64xf32>
    %add3A_18 = arith.addf %dot_general3A_13, %add3A_17 : vector<2000x64xf32>
    %max3A = arith.constant 0.000000e+00 : f32
    %max3A_19 = vector.broadcast %max3A : f32 to vector<2000x64xf32>
    %max3A_20 = arith.maximumf %add3A_18, %max3A_19 : vector<2000x64xf32>
    %convert_element_type3A_21 = arith.truncf %max3A_20 : vector<2000x64xf32> to vector<2000x64xbf16>
    %get3A_22 = arith.constant 0 : index
    %get3A_23 = arith.constant 0 : index
    %get3A_24 = vector.load %arg4[%get3A_22, %get3A_23] : memref<64x128xf32, #tpu.memory_space<vmem>>, vector<64x128xf32>
    %convert_element_type3A_25 = arith.truncf %get3A_24 : vector<64x128xf32> to vector<64x128xbf16>
    %dot_general3A_26 = arith.constant dense<0.000000e+00> : vector<2000x128xf32>
    %dot_general3A_27 = tpu.matmul %convert_element_type3A_21, %convert_element_type3A_25, %dot_general3A_26 {dimension_numbers = #tpu.dot_dimension_numbers<[1], [0], [0], [1], [0, 0, 1, 1], [], []>, transpose_lhs_hint = false} : vector<2000x64xbf16>, vector<64x128xbf16>, vector<2000x128xf32> -> vector<2000x128xf32>
    %get3A_28 = arith.constant 0 : index
    %get3A_29 = arith.constant 0 : index
    %get3A_30 = vector.load %arg5[%get3A_28, %get3A_29] : memref<1x128xf32, #tpu.memory_space<vmem>>, vector<1x128xf32>
    %add3A_31 = vector.broadcast %get3A_30 : vector<1x128xf32> to vector<2000x128xf32>
    %add3A_32 = arith.addf %dot_general3A_27, %add3A_31 : vector<2000x128xf32>
    %swap3A = arith.constant 0 : index
    %swap3A_33 = arith.constant 0 : index
    %swap3A_34 = vector.load %arg6[%swap3A, %swap3A_33] : memref<2000x128xf32, #tpu.memory_space<vmem>>, vector<2000x128xf32>
    tpu.vector_store %arg6[%swap3A, %swap3A_33], %add3A_32 {strides = array<i32>} : memref<2000x128xf32, #tpu.memory_space<vmem>>, vector<2000x128xf32>,
    return
  }
  func.func @transform_0(%arg0: i32) -> (i32, i32, i32) {
    %c0_i32 = arith.constant 0 : i32
    %c0_i32_0 = arith.constant 0 : i32
    %c0_i32_1 = arith.constant 0 : i32
    return %c0_i32, %arg0, %c0_i32_0 : i32, i32, i32
  }
  func.func @transform_1(%arg0: i32) -> (i32, i32) {
    %c0_i32 = arith.constant 0 : i32
    %c0_i32_0 = arith.constant 0 : i32
    %c0_i32_1 = arith.constant 0 : i32
    return %c0_i32, %c0_i32_0 : i32, i32
  }
  func.func @transform_2(%arg0: i32) -> (i32, i32) {
    %c0_i32 = arith.constant 0 : i32
    %c0_i32_0 = arith.constant 0 : i32
    %c0_i32_1 = arith.constant 0 : i32
    return %c0_i32, %c0_i32_0 : i32, i32
  }
  func.func @transform_3(%arg0: i32) -> (i32, i32) {
    %c0_i32 = arith.constant 0 : i32
    %c0_i32_0 = arith.constant 0 : i32
    %c0_i32_1 = arith.constant 0 : i32
    return %c0_i32, %c0_i32_0 : i32, i32
  }
  func.func @transform_4(%arg0: i32) -> (i32, i32) {
    %c0_i32 = arith.constant 0 : i32
    %c0_i32_0 = arith.constant 0 : i32
    %c0_i32_1 = arith.constant 0 : i32
    return %c0_i32, %c0_i32_0 : i32, i32
  }
  func.func @transform_5(%arg0: i32) -> (i32, i32) {
    %c0_i32 = arith.constant 0 : i32
    %c0_i32_0 = arith.constant 0 : i32
    return %arg0, %c0_i32 : i32, i32
  }
}

</mosaic_0001>

<sc_bundles>
// kernel: kernel.4.cloned.1.call-start
scs
__scs_entry_jumppad:
0x0: {  	(pc) =	sbr.rel $0x88, $3  }
0x1: {  	(tag) =	ssettag $0x0;
	lr =	simm.s32 $0x1  }
0x2: {  	[smem:$0x3F9B] =	sst lr;
	_ =	strace $0xD0000000  }
0x3: {  	_ = 	snop  }
0x4: {  	_ = 	snop  }
0x5: {  	_ = 	snop  }
0x6: {  	_ = 	snop  }
0x7: {  	_ = 	snop  }
__scs_overlays_trampoline_lowered:
0x8: {  	[smem:$0x3FAA] =	sst s0  }
0x9: {  	[smem:$0x3FAB] =	sst s1  }
0xa: {  	[smem:$0x3FAC] =	sst s2  }
0xb: {  	[smem:$0x3FAD] =	sst s3  }
0xc: {  	[smem:$0x3FAE] =	sst s4  }
0xd: {  	[smem:$0x3FAF] =	sst s5  }
0xe: {  	[smem:$0x3FB0] =	sst s6  }
0xf: {  	[smem:$0x3FB1] =	sst s7  }
0x10: {  	[smem:$0x3FB2] =	sst s8  }
0x11: {  	[smem:$0x3FB3] =	sst s9;
	s0 =	simm.s32 @!p0 $0x0  }
0x12: {  	s1 =	sld [smem:$0x3F99];
	s0 =	simm.s32 @p0 $0x1  }
0x13: {  	[smem:$0x3FB4] =	sst s0;
	s0 =	simm.s32 @!p1 $0x0  }
0x14: {  	s2 =	sld [smem:$0x3F98];
	s0 =	simm.s32 @p1 $0x1  }
0x15: {  	[smem:$0x3FB5] =	sst s0;
	s0 =	simm.s32 @!p2 $0x0  }
0x16: {  	s3 =	sld [smem:$0x3FDB];
	s0 =	simm.s32 @p2 $0x1  }
0x17: {  	s4 =	simm.s32 $0x1BF5;
	[smem:$0x3FB7] =	sst s0  }
0x18: {  	s0 =	sld [smem:$0x3F9A];
	_ =	swait.ge [sflag:s4], $0x0  }
0x19: {  	s7 =	sld [smem:$0x3F9B]  }
0x1a: {  	s8 =	sadd.s32 $0xFFFFE003, lr  }
0x1b: {  	s9 =	sadd.s32 $0xFFFFFEF7, lr;
	s5 =	simm.s32 $0xFFFFFFFF;
	p2 =	slt.u32 s8, $0xFFFFF086  }
0x1c: {  	p1 =	slt.u32 s9, $0xF7A;
	s5 =	simm.s32 @!p2 $0x0  }
0x1d: {  	s5 =	simm.s32 @p1 $0x1;
	p0 =	seq.s32 s7, s2  }
0x1e: {  	s7 =	smul.u32 @!p0 $0xF7A, s2;
	p2 =	seq.s32 @!p0 s5, $0x0  }
0x1f: {  	s9 =	smul.u32 $0xF7A, s1;
	s8 =	simm.s32 @!p0 $0x1BF5;
	p2 =	por !p2, p0  }
0x20: {  	[sflag:s8] =	ssyncset.s32 @!p0 $0xFFFFF086;
	s6 =	sadd.s32 @!p0 s3, s7;
	s7 =	simm.s32 @!p0 $0x108  }
0x21: {  	s3 =	sadd.s32 s3, s9;
	s6 =	sadd.s32 @!p0 $0x88, s6;
	s7 =	simm.s32 @p2 $0x1082  }
0x22: {  	[simem:s7], [sflag:s8] =	dma.local @!p0 [hbm:s6], $0xF7A  }
0x23: {  	s9 =	sor.u32 $0xD0000000, s2;
	s6 =	simm.s32 $0x108;
	_ =	swait.ge @!p0 [sflag:s8], $0x0  }
0x24: {  	s3 =	sadd.s32 $0x88, s3;
	s6 =	simm.s32 @!p1 $0x1082;
	[sflag:s4] =	ssyncset.s32 $0xFFFFF086  }
0x25: {  	[simem:s6], [sflag:s4] =	dma.local [hbm:s3], $0xF7A  }
0x26: {  	[smem:$0x3F9B] =	sst s1;
	(tag) =	ssettag s2;
	_ =	strace s9  }
0x27: {  	s1 =	sld [smem:$0x3FAB]  }
0x28: {  	s2 =	sld [smem:$0x3FAC]  }
0x29: {  	s4 =	sld [smem:$0x3FAE]  }
0x2a: {  	p0 =	seq.s32 s5, $0x0;
	s5 =	sld [smem:$0x3FAF]  }
0x2b: {  	s6 =	sld [smem:$0x3FB0]  }
0x2c: {  	s7 =	sld [smem:$0x3FB1]  }
0x2d: {  	s3 =	simm.s32 $0x108;
	s8 =	sld [smem:$0x3FB2]  }
0x2e: {  	s3 =	simm.s32 @!p0 $0x1082;
	s9 =	sld [smem:$0x3FB3]  }
0x2f: {  	lr =	sadd.s32 s0, s3;
	s0 =	sld [smem:$0x3FAA]  }
0x30: {  	s3 =	sld [smem:$0x3FAD]  }
0x31: {  	[smem:$0x3FB6] =	sst s10  }
0x32: {  	s10 =	sld [smem:$0x3FB4];
	_ =	sdelay $0x3  }
0x33: {  	p0 =	seq.s32 s10, $0x1;
	s10 =	sld [smem:$0x3FB6];
	_ =	sdelay $0x3  }
0x34: {  	[smem:$0x3FB6] =	sst s10  }
0x35: {  	s10 =	sld [smem:$0x3FB5];
	_ =	sdelay $0x3  }
0x36: {  	p1 =	seq.s32 s10, $0x1;
	s10 =	sld [smem:$0x3FB6];
	_ =	sdelay $0x3  }
0x37: {  	[smem:$0x3FB6] =	sst s10  }
0x38: {  	s10 =	sld [smem:$0x3FB7]  }
0x39: {  	_ = 	snop;
	(pc) =	sbr.ind lr, $3  }
0x3a: {  	_ = 	snop  }
0x3b: {  	_ = 	snop  }
0x3c: {  	p2 =	seq.s32 s10, $0x1;
	s10 =	sld [smem:$0x3FB6]  }
0x3d: {  	_ =	shalt  }
0x3e: {  	_ =	shalt  }
0x3f: {  	_ =	shalt  }
0x40: {  	_ =	shalt  }
0x41: {  	_ =	shalt  }
0x42: {  	_ =	shalt  }
0x43: {  	_ =	shalt  }
0x44: {  	_ =	shalt  }
0x45: {  	_ =	shalt  }
0x46: {  	_ =	shalt  }
0x47: {  	_ =	shalt  }
0x48: {  	_ =	shalt  }
0x49: {  	_ =	shalt  }
0x4a: {  	_ =	shalt  }
0x4b: {  	_ =	shalt  }
0x4c: {  	_ =	shalt  }
0x4d: {  	_ =	shalt  }
0x4e: {  	_ =	shalt  }
0x4f: {  	_ =	shalt  }
0x50: {  	_ =	shalt  }
0x51: {  	_ =	shalt  }
0x52: {  	_ =	shalt  }
0x53: {  	_ =	shalt  }
0x54: {  	_ =	shalt  }
0x55: {  	_ =	shalt  }
0x56: {  	_ =	shalt  }
0x57: {  	_ =	shalt  }
0x58: {  	_ =	shalt  }
0x59: {  	_ =	shalt  }
0x5a: {  	_ =	shalt  }
0x5b: {  	_ =	shalt  }
0x5c: {  	_ =	shalt  }
0x5d: {  	_ =	shalt  }
0x5e: {  	_ =	shalt  }
0x5f: {  	_ =	shalt  }
0x60: {  	_ =	shalt  }
0x61: {  	_ =	shalt  }
0x62: {  	_ =	shalt  }
0x63: {  	_ =	shalt  }
0x64: {  	_ =	shalt  }
0x65: {  	_ =	shalt  }
0x66: {  	_ =	shalt  }
0x67: {  	_ =	shalt  }
0x68: {  	_ =	shalt  }
0x69: {  	_ =	shalt  }
0x6a: {  	_ =	shalt  }
0x6b: {  	_ =	shalt  }
0x6c: {  	_ =	shalt  }
0x6d: {  	_ =	shalt  }
0x6e: {  	_ =	shalt  }
0x6f: {  	_ =	shalt  }
0x70: {  	_ =	shalt  }
0x71: {  	_ =	shalt  }
0x72: {  	_ =	shalt  }
0x73: {  	_ =	shalt  }
0x74: {  	_ =	shalt  }
0x75: {  	_ =	shalt  }
0x76: {  	_ =	shalt  }
0x77: {  	_ =	shalt  }
0x78: {  	_ =	shalt  }
0x79: {  	_ =	shalt  }
0x7a: {  	_ =	shalt  }
0x7b: {  	_ =	shalt  }
0x7c: {  	_ =	shalt  }
0x7d: {  	_ =	shalt  }
0x7e: {  	_ =	shalt  }
0x7f: {  	_ =	shalt  }
0x80: {  	_ =	shalt  }
0x81: {  	_ =	shalt  }
0x82: {  	_ =	shalt  }
0x83: {  	_ =	shalt  }
0x84: {  	_ =	shalt  }
0x85: {  	_ =	shalt  }
0x86: {  	_ =	shalt  }
0x87: {  	_ =	shalt  }
.Lfunc_end0:
.L_simem_size_0:
called_computation_lowered:
.L_overlay_start_0:
0x88: {  	s2 =	sld [smem:$0x3FD9]  }
0x89: {  	s3 =	sld [smem:$0x3FFE];
	_ =	sdelay $0x1  }
0x8a: {  	s1 =	srdreg.scid  }
0x8b: {  	s0 =	sand.u32 $0x1, s1  }
0x8c: {  	s17 =	sshll.u32 s0, $0xA;
	s2 =	sadd.s32 s3, s2  }
0x8d: {  	s2 =	sadd.s32 s2, s17  }
0x8e: {  	[smem:$0x3FC2] =	sst s2  }
0x8f: {  	_ = 	snop  }
0x90: {  	s2 =	sld [smem:$0x3FC9]  }
0x91: {  	s18 =	sld [smem:$0x3FD0];
	(tm) =	ssettm $0x1  }
0x92: {  	s4 =	sld [smem:$0x3FFB];
	_ =	sdelay $0x3  }
0x93: {  	_ =	strace s4  }
0x94: {  	s4 =	sld [smem:$0x3FFC];
	_ =	sdelay $0x3  }
0x95: {  	_ =	strace s4  }
0x96: {  	s4 =	sld [smem:$0x3FFD];
	_ =	sdelay $0x3  }
0x97: {  	_ =	strace s4  }
0x98: {  	_ =	strace $0x8FFFFFFF  }
0x99: {  	s19 =	sld [smem:$0x3FDB];
	_ =	sdelay $0x1  }
0x9a: {  	s5 =	simm.s32 $_scs_section_size  }
0x9b: {  	s6 =	simm.s32 $_size__tile_overlayer_lowered;
	s7 =	simm.s32 $_tile_overlayer_lowered  }
0x9c: {  	s22 =	simm.s32 $0x1BFF;
	s21 =	sshll.u32 s7, $0x1;
	s4 =	sadd.s32 s5, s19  }
0x9d: {  	s8 =	simm.s32 $0x0;
	s20 =	sshll.u32 s6, $0x1;
	s6 =	sadd.s32 s21, s4  }
0x9e: {  	[timem:s8], [sflag:s22] =	dma.local [hbm:s6], s20  }
0x9f: {  	_ =	swait.ge [sflag:s22], s20  }
0xa0: {  	s5 =	ssub.s32 $0x0, s20;
	[sflag:s22] =	ssyncset.done $0x0  }
0xa1: {  	[sflag:s22] =	ssyncadd.s32 s5;
	_ =	sdelay $0x1  }
0xa2: {  	s23 =	simm.s32 $0x1B8B  }
0xa3: {  	_ =	swait.ge [sflag:s23], $0x1  }
0xa4: {  	[sflag:s23] =	ssyncset.done $0x0  }
0xa5: {  	s25 =	simm.s32 $0x1B8E;
	s24 =	sld [smem:$0x3FFE];
	[sflag:s23] =	ssyncadd.s32 $0xFFFFFFFF  }
0xa6: {  	s26 =	simm.s32 $execute0_lowered;
	[smem:$0x3FD2] =	sst s25  }
0xa7: {  	s6 =	sshll.u32 s26, $0x1;
	_ =	strace $0x80000046;
	[dreg:$0x1] =	wrdreg $0xFFFFFFFF  }
0xa8: {  	s28 =	simm.s32 $_size_execute0_lowered;
	s4 =	sadd.s32 s4, s6;
	[dreg:$0x0] =	wrdreg $0x0  }
0xa9: {  	s6 =	sshll.u32 s28, $0x1;
	[dreg:$0x2] =	wrdreg s4  }
0xaa: {  	[dreg:$0x3] =	wrdreg s6  }
0xab: {  	[dreg:$0x4] =	wrdreg $0xC0  }
0xac: {  	_ =	task [dreg:s8], $0x5FFFF  }
0xad: {  	[dreg:$0x1] =	wrdreg $0xFFFFFFFF  }
0xae: {  	[dreg:$0x0] =	wrdreg $0x60  }
0xaf: {  	[dreg:$0x2] =	wrdreg s2  }
0xb0: {  	[dreg:$0x3] =	wrdreg s18  }
0xb1: {  	[dreg:$0x4] =	wrdreg s24  }
0xb2: {  	[dreg:$0x5] =	wrdreg $0xA9000  }
0xb3: {  	[dreg:$0x6] =	wrdreg $0x9  }
0xb4: {  	_ =	task.clear_ibuf [dreg:s8], $0x7FFFF;
	_ =	strace $0x90000046  }
0xb5: {  	s29 =	simm.s32 $0x9;
	_ =	strace $0x80000048  }
0xb6: {  	_ =	swait.ge [sflag:s29], $0x1  }
0xb7: {  	[sflag:s29] =	ssyncadd.s32 $0xFFFFFFFF  }
0xb8: {  	_ =	strace $0x90000048  }
0xb9: {  	_ =	sfence  }
0xba: {  	s30 =	sld [smem:$0x0];
	_ =	sdelay $0x2  }
0xbb: {  	s31 =	sshll.u32 s1, $0xD;
	s1 =	sshrl.u32 s1, $0x2  }
0xbc: {  	s3 =	sand.u32 $0x4000, s31;
	s1 =	sadd.s32 s1, s30  }
0xbd: {  	s0 =	sor.u32 s3, s0;
	s1 =	sshll.u32 s1, $0x11  }
0xbe: {  	s0 =	sor.u32 s1, s0  }
0xbf: {  	s0 =	sadd.s32 $0x8F2B, s0  }
0xc0: {  	[sflag:s0] =	ssyncadd.remote.s32 $0x1  }
0xc1: {  	_ =	sfence.sel $0xFFFF  }
0xc2: {  	[dreg:$0x0] =	wrdreg $0xFFFFFFFF;
	(pc) =	sbr.abs _section_cstart, $3  }
0xc3: {  	[dreg:$0x1] =	wrdreg $0xFFFFFFFF  }
0xc4: {  	_ =	task.clear_ibuf [dreg:s8], $0x2FFFF;
	_ =	strace $0x9FFFFFFF  }
0xc5: {  	(tm) =	ssettm $0x7FFFFFFF  }
tec
execute0_lowered:
.L_overlay_start_1:
0x0: {  	(tag) =	ssettag $0x1  }
0x1: {  	s0 =	rddreg [dreg:$0x0]  }
0x2: {  	s7 =	rddreg [dreg:$0x1]  }
0x3: {  	s1 =	srdreg.scid;
	s8 =	rddreg [dreg:$0x2]  }
0x4: {  	s3 =	rddreg [dreg:$0x3];
	s30 =	stileid.u32;
	s4 =	simm.s32 $0x0  }
0x5: {  	s18 =	simm.s32 $0x2800;
	s19 =	simm.s32 $0x80;
	s20 =	simm.s32 $0x2880  }
0x6: {  	s21 =	simm.s32 $0x6900;
	s22 =	simm.s32 $0x3;
	s23 =	simm.s32 $0x6  }
0x7: {  	s24 =	simm.s32 $0x4;
	s26 =	simm.s32 $0x2;
	s28 =	simm.s32 $0x0  }
0x8: {  	s9 =	sand.u32 $0x1, s1;
	[smem:$0x7FF] =	sst s4;
	s6 =	sadd.s32 $0x800, s8  }
0x9: {  	s14 =	sadd.s32 $0xA800, s8;
	p0 =	seq.s32 s30, $0xF;
	s13 =	smul.u32 $0x14000, s30  }
0xa: {  	s8 =	simm.s32 $0x5;
	s16 =	smul.u32 $0x50000, s30;
	s25 =	sadd.s32 $0x12C000, s3  }
0xb: {  	s5 =	sshll.u32 s9, $0x4;
	_ =	strace $0x80000047;
	s10 =	ssub.s32 $0x2, s9  }
0xc: {  	s12 =	smul.u32 $0x138800, s9;
	s9 =	simm.s32 $0x5;
	s25 =	sshrl.u32 @p0 s25, $0x3  }
0xd: {  	s5 =	sor.u32 s30, s5;
	s31 =	sshrl.u32 s10, $0x1;
	s9 =	simm.s32 @!p0 $0x8  }
0xe: {  	s16 =	sshrl.u32 s16, $0x2;
	s5 =	smul.u32 $0x2800, s5;
	s13 =	sadd.s32 s13, s12  }
0xf: {  	s15 =	ssub.s32 s10, s31;
	s17 =	sshrl.u32 s12, $0x3;
	s13 =	sshrl.u32 s13, $0x3  }
0x10: {  	s15 =	smax.u32 s15, $0x1;
	s11 =	sshrl.u32 s5, $0x3;
	s12 =	sadd.s32 s14, s13  }
0x11: {  	s13 =	sadd.s32 s16, s3;
	s14 =	sadd.s32 s14, s17;
	s16 =	simm.s32 $0x2900  }
0x12: {  	s17 =	simm.s32 $0x1;
	s2 =	sadd.s32 s7, s11;
	s10 =	sadd.s32 s6, s11  }
0x13: {  	v0 =	vimm.f32 $0.0e+00;
	s14 =	sadd.s32 $0x25800, s14;
	[dreg:$0x5] =	wrdreg s2;
	s11 =	sadd.s32 $0x10, s10  }
.LBB2_1:
0x14: {  	s1 =	rddreg [dreg:$0x5];
	s29 =	simm.s32 $0x0;
	s30 =	simm.s32 $0x200  }
0x15: {  	[tilespmem:s4], [sflag:$0x5] =	stream.linear.gather [hbm4b:s1+s4], $0x2800, $0x38;
	[tilespmem:$0x1E900] =	vst v63  }
.LBB2_2:
0x16: {  	p1 =	sne.s32 s30, $0x9E00;
	[tilespmem:s29+$0x2970] =	vst v0  }
0x17: {  	[tilespmem:s29+$0x2900] =	vst v0  }
0x18: {  	[tilespmem:s29+$0x2910] =	vst v0  }
.Ltmp0:
0x19: {  	[tilespmem:s29+$0x2920] =	vst v0;
	(pc) =	sbr.rel @p1 .LBB2_2-.Ltmp0, $4  }
0x1a: {  	[tilespmem:s29+$0x2930] =	vst v0  }
0x1b: {  	[tilespmem:s29+$0x2940] =	vst v0  }
0x1c: {  	[tilespmem:s29+$0x2950] =	vst v0  }
0x1d: {  	[tilespmem:s29+$0x2960] =	vst v0;
	s29 =	sshra.s32 s30, $0x2;
	s30 =	sadd.s32 $0x200, s30  }
0x1e: {  	[tilespmem:s29+$0x2970] =	vst v0  }
0x1f: {  	[tilespmem:s29+$0x2900] =	vst v0  }
0x20: {  	[tilespmem:s29+$0x2910] =	vst v0  }
0x21: {  	[tilespmem:s29+$0x2920] =	vst v0;
	p1 =	sne.s32 s9, $0x1  }
.Ltmp1:
0x22: {  	[tilespmem:s29+$0x2930] =	vst v0;
	(pc) =	sbr.rel @!p1 .LBB2_5-.Ltmp1, $4  }
0x23: {  	[tilespmem:s29+$0x2940] =	vst v0  }
0x24: {  	[tilespmem:s29+$0x2950] =	vst v0  }
0x25: {  	[tilespmem:s29+$0x2960] =	vst v0;
	s29 =	sadd.s32 $0xFFFFFFFF, s9;
	s30 =	smov.u32 s13  }
0x26: {  	[spmem:s13] =	stream.linear.scatter [tilespmem:s16], [sflag:$0x1], $0x2800, $0x38;
	[tilespmem:$0x1E900] =	vst v63  }
.LBB2_4:
0x27: {  	p2 =	sne.s32 s29, $0x1  }
.Ltmp2:
0x28: {  	_ = 	snop;
	(pc) =	sbr.rel @p2 .LBB2_4-.Ltmp2, $3  }
0x29: {  	_ = 	snop  }
0x2a: {  	s29 =	sadd.s32 $0xFFFFFFFF, s29;
	s30 =	sadd.s32 $0x2800, s30;
	_ =	sdelay $0x1  }
0x2b: {  	[spmem:s30] =	stream.linear.scatter [tilespmem:s16], [sflag:$0x1], $0x2800, $0x38;
	[tilespmem:$0x1E900] =	vst v63  }
.LBB2_5:
.Ltmp3:
0x2c: {  	(pc) =	sbr.rel @!p1 .LBB2_7-.Ltmp3, $3  }
0x2d: {  	_ =	sdelay $0x1  }
0x2e: {  	_ =	swait.ge [sflag:s17], $0x2800  }
0x2f: {  	s29 =	sadd.s32 $0xFFFFFFFF, s9;
	[sflag:s17] =	ssyncset.done $0x0  }
.LBB2_6:
0x30: {  	p1 =	sne.s32 s29, $0x1;
	s29 =	sadd.s32 $0xFFFFFFFF, s29;
	[sflag:s17] =	ssyncadd.s32 $0xFFFFD800  }
.Ltmp4:
0x31: {  	(pc) =	sbr.rel @p1 .LBB2_6-.Ltmp4, $3  }
0x32: {  	_ =	sdelay $0x1  }
0x33: {  	_ =	swait.ge [sflag:s17], $0x2800  }
0x34: {  	[sflag:s17] =	ssyncset.done $0x0  }
.LBB2_7:
0x35: {  	[sflag:s17] =	ssyncadd.s32 $0xFFFFD800  }
0x36: {  	_ =	swait.ge [sflag:s8], $0x2800  }
0x37: {  	[sflag:s8] =	ssyncset.done $0x0  }
0x38: {  	[sflag:s8] =	ssyncadd.s32 $0xFFFFD800  }
0x39: {  	[tilespmem:s18], [sflag:$0x1] =	stream.linear.gather [hbm4b:s10+s4], $0x80, $0x38;
	[tilespmem:$0x1E900] =	vst v63  }
0x3a: {  	_ = 	snop  }
0x3b: {  	[tilespmem:s16], [sflag:$0x3] =	stream.indirect.gather [hbm4b:s0+s19], $0x80, s4, s19, $0xb8;
	[tilespmem:$0x1E900] =	vst v63  }
0x3c: {  	_ = 	snop  }
0x3d: {  	[tilespmem:s20], [sflag:$0x2] =	stream.linear.gather [hbm4b:s11+s4], $0x80, $0x38;
	[tilespmem:$0x1E900] =	vst v63  }
0x3e: {  	_ = 	snop  }
0x3f: {  	[tilespmem:s21], [sflag:$0x4] =	stream.indirect.gather [hbm4b:s0+s19], $0x80, s19, s19, $0xb8;
	[tilespmem:$0x1E900] =	vst v63  }
0x40: {  	[bflag:$0x0] =	sbarrier.arrive $0xFFFF  }
0x41: {  	_ =	swait.ge [sflag:s22], $0x4000  }
0x42: {  	[sflag:s22] =	ssyncset.done $0x0  }
0x43: {  	[sflag:s22] =	ssyncadd.s32 $0xFFFFC000  }
0x44: {  	s29 =	simm.s32 $0x100;
	_ =	swait.ge [sflag:s17], $0x80  }
0x45: {  	s30 =	sand.u32 $0x7C00, s29;
	[sflag:s17] =	ssyncset.done $0x0  }
0x46: {  	s29 =	sand.u32 $0x300, s29;
	s30 =	sadd.s32 s5, s30;
	[sflag:s17] =	ssyncadd.s32 $0xFFFFFF80  }
0x47: {  	[spmem:s3] =	stream.indirect.scatter.add.f32 [tilespmem:s16], [sflag:$0x6], $0x80, s18, s19, $0xb8;
	[tilespmem:$0x1E900] =	vst v63  }
0x48: {  	s29 =	sor.u32 s29, s30;
	_ =	swait.ge [sflag:s23], $0x4000  }
0x49: {  	s29 =	sshrl.u32 s29, $0x3;
	[sflag:s23] =	ssyncset.done $0x0  }
0x4a: {  	s29 =	sadd.s32 s6, s29;
	[sflag:s23] =	ssyncadd.s32 $0xFFFFC000  }
0x4b: {  	[tilespmem:s18], [sflag:$0x1] =	stream.linear.gather [hbm4b:s29+s4], $0x80, $0x38;
	[tilespmem:$0x1E900] =	vst v63  }
0x4c: {  	s29 =	simm.s32 $0x100  }
0x4d: {  	[tilespmem:s16], [sflag:$0x3] =	stream.indirect.gather [hbm4b:s0+s19], $0x80, s29, s19, $0xb8;
	[tilespmem:$0x1E900] =	vst v63  }
0x4e: {  	_ =	swait.ge [sflag:s24], $0x4000  }
0x4f: {  	[sflag:s24] =	ssyncset.done $0x0  }
0x50: {  	[sflag:s24] =	ssyncadd.s32 $0xFFFFC000  }
0x51: {  	s29 =	simm.s32 $0x180;
	_ =	swait.ge [sflag:s26], $0x80  }
0x52: {  	s30 =	sand.u32 $0x7C00, s29;
	[sflag:s26] =	ssyncset.done $0x0  }
0x53: {  	s29 =	sand.u32 $0x380, s29;
	s30 =	sadd.s32 s5, s30;
	[sflag:s26] =	ssyncadd.s32 $0xFFFFFF80  }
0x54: {  	[spmem:s3] =	stream.indirect.scatter.add.f32 [tilespmem:s21], [sflag:$0x6], $0x80, s20, s19, $0xb8;
	[tilespmem:$0x1E900] =	vst v63  }
0x55: {  	s29 =	sor.u32 s29, s30;
	_ =	swait.ge [sflag:s23], $0x4000  }
0x56: {  	s29 =	sshrl.u32 s29, $0x3;
	[sflag:s23] =	ssyncset.done $0x0  }
0x57: {  	s29 =	sadd.s32 s6, s29;
	[sflag:s23] =	ssyncadd.s32 $0xFFFFC000  }
0x58: {  	[tilespmem:s20], [sflag:$0x2] =	stream.linear.gather [hbm4b:s29+s4], $0x80, $0x38;
	[tilespmem:$0x1E900] =	vst v63  }
0x59: {  	s31 =	simm.s32 $0x200;
	s30 =	simm.s32 $0x180;
	s29 =	simm.s32 $0x280  }
.LBB2_8:
0x5a: {  	s1 =	sadd.s32 $0x80, s31  }
0x5b: {  	p1 =	sne.s32 s29, $0x2780;
	s2 =	smov.u32 s29;
	s29 =	sadd.s32 $0x100, s29  }
0x5c: {  	[tilespmem:s21], [sflag:$0x4] =	stream.indirect.gather [hbm4b:s0+s19], $0x80, s30, s19, $0xb8;
	[tilespmem:$0x1E900] =	vst v63  }
0x5d: {  	s30 =	smov.u32 s1;
	_ =	swait.ge [sflag:s22], $0x4000  }
0x5e: {  	[sflag:s22] =	ssyncset.done $0x0  }
0x5f: {  	[sflag:s22] =	ssyncadd.s32 $0xFFFFC000  }
0x60: {  	_ =	swait.ge [sflag:s17], $0x80  }
0x61: {  	s1 =	sadd.s32 $0xFFFFFF80, s2;
	[sflag:s17] =	ssyncset.done $0x0  }
0x62: {  	s7 =	sand.u32 $0x7C00, s1;
	s1 =	sand.u32 $0x300, s1;
	[sflag:s17] =	ssyncadd.s32 $0xFFFFFF80  }
0x63: {  	[spmem:s3] =	stream.indirect.scatter.add.f32 [tilespmem:s16], [sflag:$0x6], $0x80, s18, s19, $0xb8;
	[tilespmem:$0x1E900] =	vst v63  }
0x64: {  	s7 =	sadd.s32 s5, s7;
	_ =	swait.ge [sflag:s23], $0x4000  }
0x65: {  	s1 =	sor.u32 s1, s7;
	[sflag:s23] =	ssyncset.done $0x0  }
0x66: {  	s1 =	sshrl.u32 s1, $0x3;
	[sflag:s23] =	ssyncadd.s32 $0xFFFFC000  }
0x67: {  	s1 =	sadd.s32 s6, s1  }
0x68: {  	[tilespmem:s18], [sflag:$0x1] =	stream.linear.gather [hbm4b:s1+s4], $0x80, $0x38;
	[tilespmem:$0x1E900] =	vst v63  }
0x69: {  	_ = 	snop  }
0x6a: {  	[tilespmem:s16], [sflag:$0x3] =	stream.indirect.gather [hbm4b:s0+s19], $0x80, s31, s19, $0xb8;
	[tilespmem:$0x1E900] =	vst v63  }
0x6b: {  	_ =	swait.ge [sflag:s24], $0x4000  }
0x6c: {  	[sflag:s24] =	ssyncset.done $0x0  }
0x6d: {  	[sflag:s24] =	ssyncadd.s32 $0xFFFFC000  }
0x6e: {  	_ =	swait.ge [sflag:s26], $0x80  }
0x6f: {  	s1 =	sand.u32 $0x7C00, s2;
	[sflag:s26] =	ssyncset.done $0x0  }
0x70: {  	s2 =	sand.u32 $0x380, s2;
	s1 =	sadd.s32 s5, s1;
	[sflag:s26] =	ssyncadd.s32 $0xFFFFFF80  }
0x71: {  	[spmem:s3] =	stream.indirect.scatter.add.f32 [tilespmem:s21], [sflag:$0x6], $0x80, s20, s19, $0xb8;
	[tilespmem:$0x1E900] =	vst v63  }
.Ltmp5:
0x72: {  	_ = 	snop;
	(pc) =	sbr.rel @p1 .LBB2_8-.Ltmp5, $4  }
0x73: {  	s1 =	sor.u32 s2, s1;
	_ =	swait.ge [sflag:s23], $0x4000  }
0x74: {  	s1 =	sshrl.u32 s1, $0x3;
	[sflag:s23] =	ssyncset.done $0x0  }
0x75: {  	s31 =	sadd.s32 $0x100, s31;
	s1 =	sadd.s32 s6, s1;
	[sflag:s23] =	ssyncadd.s32 $0xFFFFC000  }
0x76: {  	[tilespmem:s20], [sflag:$0x2] =	stream.linear.gather [hbm4b:s1+s4], $0x80, $0x38;
	[tilespmem:$0x1E900] =	vst v63  }
0x77: {  	[tilespmem:s21], [sflag:$0x4] =	stream.indirect.gather [hbm4b:s0+s19], $0x80, s30, s19, $0xb8;
	[tilespmem:$0x1E900] =	vst v63  }
0x78: {  	_ =	swait.ge [sflag:s22], $0x4000  }
0x79: {  	[sflag:s22] =	ssyncset.done $0x0  }
0x7a: {  	[sflag:s22] =	ssyncadd.s32 $0xFFFFC000  }
0x7b: {  	_ =	swait.ge [sflag:s17], $0x80  }
0x7c: {  	[sflag:s17] =	ssyncset.done $0x0  }
0x7d: {  	[sflag:s17] =	ssyncadd.s32 $0xFFFFFF80  }
0x7e: {  	[spmem:s3] =	stream.indirect.scatter.add.f32 [tilespmem:s16], [sflag:$0x6], $0x80, s18, s19, $0xb8;
	[tilespmem:$0x1E900] =	vst v63  }
0x7f: {  	_ =	swait.ge [sflag:s23], $0x4000  }
0x80: {  	[sflag:s23] =	ssyncset.done $0x0  }
0x81: {  	[sflag:s23] =	ssyncadd.s32 $0xFFFFC000  }
0x82: {  	_ =	swait.ge [sflag:s24], $0x4000  }
0x83: {  	[sflag:s24] =	ssyncset.done $0x0  }
0x84: {  	[sflag:s24] =	ssyncadd.s32 $0xFFFFC000  }
0x85: {  	_ =	swait.ge [sflag:s26], $0x80  }
0x86: {  	[sflag:s26] =	ssyncset.done $0x0  }
0x87: {  	[sflag:s26] =	ssyncadd.s32 $0xFFFFFF80  }
0x88: {  	[spmem:s3] =	stream.indirect.scatter.add.f32 [tilespmem:s21], [sflag:$0x6], $0x80, s20, s19, $0xb8;
	[tilespmem:$0x1E900] =	vst v63  }
0x89: {  	_ =	swait.ge [sflag:s23], $0x4000  }
0x8a: {  	[sflag:s23] =	ssyncset.done $0x0  }
0x8b: {  	[sflag:s23] =	ssyncadd.s32 $0xFFFFC000  }
0x8c: {  	s1 =	simm.s32 @p0 $0x1FC6;
	[bflag:$0x0] =	sbarrier.arrive $0xFFFF  }
0x8d: {  	[hbm:s14], [sflag:s1] =	dma.local @p0 [spmem:s25], $0x1900  }
0x8e: {  	s1 =	simm.s32 @p0 $0x6  }
0x8f: {  	s2 =	stileid.u32;
	s28 =	sadd.s32 $0x1, s28;
	_ =	swait.ge @p0 [sflag:s1], $0x1900  }
0x90: {  	s2 =	sshll.u32 @!p0 s2, $0x6;
	p1 =	sne.s32 s28, s15;
	[sflag:s1] =	ssyncset.done @p0 $0x0  }
0x91: {  	[sflag:s1] =	ssyncadd.s32 @p0 $0xFFFFE700;
	s1 =	sor.u32 @!p0 $0x1C06, s2;
	s2 =	sshrl.u32 @!p0 s13, $0x3  }
0x92: {  	[hbm:s12], [sflag:s1] =	dma.local @!p0 [spmem:s2], $0x2800  }
.Ltmp6:
0x93: {  	_ = 	snop;
	(pc) =	sbr.rel @p1 .LBB2_1-.Ltmp6, $4  }
0x94: {  	s1 =	simm.s32 @!p0 $0x6  }
0x95: {  	_ =	swait.ge @!p0 [sflag:s1], $0x2800  }
0x96: {  	[sflag:s1] =	ssyncset.done @!p0 $0x0  }
0x97: {  	[sflag:s1] =	ssyncadd.s32 @!p0 $0xFFFFD800  }
0x98: {  	_ =	sfence.sel $0x180000  }
0x99: {  	[bflag:$0x0] =	sbarrier.arrive $0xFFFF  }
0x9a: {  	_ =	strace $0x90000047  }
0x9b: {  	s0 =	stileid.u32;
	[bflag:$0x2] =	sbarrier.arrive $0xFFFF  }
0x9c: {  	p0 =	sne.s32 s0, $0x0;
	s0 =	rddreg [dreg:$0x4]  }
0x9d: {  	s0 =	sadd.s32 @!p0 $0x100000, s0  }
0x9e: {  	[sflag:s0] =	ssyncadd.tile.s32 @!p0 $0x1;
	_ =	shalt  }
.Lfunc_end2:
_tile_overlayer_lowered:
.L_overlay_start_2:
0x9f: {  	(tag) =	ssettag $0x2  }
0xa0: {  	s0 =	rddreg [dreg:$0x0];
	s2 =	stileid.u32  }
0xa1: {  	s1 =	rddreg [dreg:$0x1];
	p0 =	sne.s32 s2, $0x0  }
0xa2: {  	s3 =	rddreg [dreg:$0x2];
	[bflag:$0x3] =	sbarrier.arrive $0xFFFF;
	s2 =	simm.s32 @!p0 $0x1C06  }
0xa3: {  	[timem:s3], [sflag:s2] =	dma.local @!p0 [hbm:s0], s1  }
0xa4: {  	s0 =	simm.s32 @!p0 $0x6  }
0xa5: {  	_ =	swait.ge @!p0 [sflag:s0], s1  }
0xa6: {  	s1 =	ssub.s32 @!p0 $0x0, s1;
	[sflag:s0] =	ssyncset.done @!p0 $0x0  }
0xa7: {  	[sflag:s0] =	ssyncadd.s32 @!p0 s1  }
0xa8: {  	[bflag:$0x3] =	sbarrier.arrive $0xFFFF  }
0xa9: {  	_ =	shalt  }

</sc_bundles>
